<compile_context>
chip_gen: v7x
topology: tpu7x:2x2x1
jax: 0.10.2.dev20260603
libtpu: 0.0.44.dev20260713+nightly
codegen_flags: <defaults>
</compile_context>

<pallas_src>
import functools

import jax
import jax.numpy as jnp
from jax import lax
from jax.experimental import pallas as pl
from jax.experimental.pallas import tpu as pltpu
from jax.experimental.pallas import tpu_sc as plsc

N_NODES = 10000
N_PAD = 10240
D = 128
E = 320000
NC, NS = 2, 16
NW = NC * NS
EDGES_PER_TILE = E // NW
CHUNK = 80
NCHUNK = EDGES_PER_TILE // CHUNK
ROWS_PER_TILE = N_PAD // NS


def _zero_rows(rows_v):
    zeros16 = jnp.zeros((16,), jnp.float32)

    def body(r, _):
        for c in range(D // 16):
            rows_v[r, pl.ds(c * 16, 16)] = zeros16
        return 0

    lax.fori_loop(0, CHUNK, body, 0)


def _sc_agg_body(with_deg, x_hbm, src_hbm, dst_hbm, *rest):
    if with_deg:
        out_agg, out_deg, src_v, dst_v, rows_v, deg_v, agg_sh, sem = rest
    else:
        out_agg, src_v, dst_v, rows_v, deg_v, agg_sh, sem = rest
    cid = lax.axis_index("c")
    sid = lax.axis_index("s")
    g = cid * NS + sid

    _zero_rows(rows_v)
    for b in range(ROWS_PER_TILE // CHUNK):
        pltpu.sync_copy(rows_v,
                        agg_sh.at[pl.ds(sid * ROWS_PER_TILE + b * CHUNK, CHUNK)])
    if with_deg:
        zeros16 = jnp.zeros((16,), jnp.float32)

        def zbody(k, _):
            deg_v[pl.ds(k * 16, 16)] = zeros16
            return 0

        lax.fori_loop(0, N_PAD // 16, zbody, 0)
    plsc.subcore_barrier()

    ones16 = jnp.ones((16,), jnp.float32)
    ebase = g * EDGES_PER_TILE

    def body(j, _):
        base = ebase + j * CHUNK
        pltpu.sync_copy(src_hbm.at[pl.ds(base, CHUNK)], src_v)
        pltpu.sync_copy(dst_hbm.at[pl.ds(base, CHUNK)], dst_v)
        pltpu.async_copy(x_hbm.at[src_v], rows_v, sem).wait()
        pltpu.sync_copy(rows_v, agg_sh.at[dst_v], add=True)
        if with_deg:
            for k in range(CHUNK // 16):
                d16 = dst_v[pl.ds(k * 16, 16)]
                plsc.addupdate_scatter(deg_v, [d16], ones16)
        return 0

    lax.fori_loop(0, NCHUNK, body, 0)
    plsc.subcore_barrier()

    pltpu.sync_copy(agg_sh.at[pl.ds(sid * ROWS_PER_TILE, ROWS_PER_TILE)],
                    out_agg.at[cid, pl.ds(sid * ROWS_PER_TILE, ROWS_PER_TILE)])
    if with_deg:
        pltpu.sync_copy(deg_v, out_deg.at[g])


def _make_sc_agg(with_deg):
    out_type = [jax.ShapeDtypeStruct((NC, N_PAD, D), jnp.float32)]
    if with_deg:
        out_type.append(jax.ShapeDtypeStruct((NW, N_PAD), jnp.float32))
    return pl.kernel(
        functools.partial(_sc_agg_body, with_deg),
        out_type=tuple(out_type),
        mesh=plsc.VectorSubcoreMesh(core_axis_name="c", subcore_axis_name="s"),
        scratch_types=[
            pltpu.VMEM((CHUNK,), jnp.int32),
            pltpu.VMEM((CHUNK,), jnp.int32),
            pltpu.VMEM((CHUNK, D), jnp.float32),
            pltpu.VMEM((N_PAD,), jnp.float32),
            pltpu.VMEM_SHARED((N_PAD, D), jnp.float32),
            pltpu.SemaphoreType.DMA,
        ],
        compiler_params=pltpu.CompilerParams(needs_layout_passes=False),
        name="sc_agg_deg" if with_deg else "sc_agg",
    )


_sc_agg_deg = _make_sc_agg(True)
_sc_agg = _make_sc_agg(False)


def _tc_layer_body(relu, aggp_ref, degp_ref, x_ref, wl_ref, wr_ref, b_ref,
                   o_ref):
    deg = jnp.sum(degp_ref[...], axis=0)
    rdeg = 1.0 / jnp.maximum(deg, 1.0)
    agg = (aggp_ref[0] + aggp_ref[1]) * rdeg[:, None]
    y = jnp.dot(agg, wl_ref[...], preferred_element_type=jnp.float32)
    y = y + jnp.dot(x_ref[...], wr_ref[...], preferred_element_type=jnp.float32)
    y = y + b_ref[...]
    if relu:
        y = jnp.maximum(y, 0.0)
    o_ref[...] = y


_TC_R = 1024


def _tc_layer(aggp, degp, x, w_l, b, w_r, relu):
    return pl.pallas_call(
        functools.partial(_tc_layer_body, relu),
        grid=(N_PAD // _TC_R,),
        in_specs=[
            pl.BlockSpec((NC, _TC_R, D), lambda i: (0, i, 0)),
            pl.BlockSpec((NW, _TC_R), lambda i: (0, i)),
            pl.BlockSpec((_TC_R, D), lambda i: (i, 0)),
            pl.BlockSpec((D, D), lambda i: (0, 0)),
            pl.BlockSpec((D, D), lambda i: (0, 0)),
            pl.BlockSpec((1, D), lambda i: (0, 0)),
        ],
        out_specs=pl.BlockSpec((_TC_R, D), lambda i: (i, 0)),
        out_shape=jax.ShapeDtypeStruct((N_PAD, D), jnp.float32),
    )(aggp, degp, x, w_l, w_r, b)


def kernel(x, edge_index, W1_l, b1, W1_r, W2_l, b2, W2_r):
    src = edge_index[0].astype(jnp.int32)
    dst = edge_index[1].astype(jnp.int32)
    xp = jnp.pad(x, ((0, N_PAD - N_NODES), (0, 0)))
    agg1, degp = _sc_agg_deg(xp, src, dst)
    h = _tc_layer(agg1, degp, xp, W1_l, b1.reshape(1, D), W1_r, relu=True)
    agg2, = _sc_agg(h, src, dst)
    out = _tc_layer(agg2, degp, h, W2_l, b2.reshape(1, D), W2_r, relu=False)
    return out[:N_NODES]

# --- scband reference (transcript-rebuilt; emitter-appended) ---
"""Pipeline reference for scband-sage-17428977287481 (READ-ONLY COPY).

The authoritative reference and input builder live on the scoring server;
editing this copy changes nothing except your own understanding.
"""

import jax, jax.numpy as jnp
import numpy as np

N_NODES = 10000
N_EDGES = 320000
D_IN = 128
D_HID = 128
D_OUT = 128


def setup_inputs(seed: int = 0) -> dict:
    key = jax.random.key(seed)
    ks = jax.random.split(key, 8)
    x = jax.random.normal(ks[0], (N_NODES, D_IN), dtype=jnp.float32)
    edge_index = jax.random.randint(ks[1], (2, N_EDGES), 0, N_NODES, dtype=jnp.int64)
    s1 = 1.0 / np.sqrt(D_IN)
    s2 = 1.0 / np.sqrt(D_HID)
    W1_l = jax.random.uniform(ks[2], (D_IN, D_HID), minval=-s1, maxval=s1, dtype=jnp.float32)
    b1 = jnp.zeros((D_HID,), dtype=jnp.float32)
    W1_r = jax.random.uniform(ks[3], (D_IN, D_HID), minval=-s1, maxval=s1, dtype=jnp.float32)
    W2_l = jax.random.uniform(ks[4], (D_HID, D_OUT), minval=-s2, maxval=s2, dtype=jnp.float32)
    b2 = jnp.zeros((D_OUT,), dtype=jnp.float32)
    W2_r = jax.random.uniform(ks[5], (D_HID, D_OUT), minval=-s2, maxval=s2, dtype=jnp.float32)
    return {"x": x, "edge_index": edge_index, "W1_l": W1_l, "b1": b1, "W1_r": W1_r,
            "W2_l": W2_l, "b2": b2, "W2_r": W2_r}


def _sage_conv(x, edge_index, W_l, b_l, W_r):
    # PyG SAGEConv with mean aggregation:
    #   out = lin_l(mean_{j in N(i)} x_j) + lin_r(x_i)
    src = edge_index[0]
    dst = edge_index[1]
    msgs = jnp.take(x, src, axis=0)                      # gather  [E, d]
    agg = jax.ops.segment_sum(msgs, dst, num_segments=N_NODES)   # scatter-add
    deg = jax.ops.segment_sum(jnp.ones((msgs.shape[0],), dtype=x.dtype), dst,
                              num_segments=N_NODES)
    mean = agg / jnp.clip(deg, 1.0)[:, None]
    return mean @ W_l + b_l + x @ W_r


def reference(x, edge_index, W1_l, b1, W1_r, W2_l, b2, W2_r):
    # layer 1 + relu (dropout p=0.0 / eval mode -> identity)
    h = _sage_conv(x, edge_index, W1_l, b1, W1_r)
    h = jax.nn.relu(h)
    # final layer (no activation)
    out = _sage_conv(h, edge_index, W2_l, b2, W2_r)
    return out

if __name__ == "__main__":
    import jax
    _d = setup_inputs()
    print(jax.jit(kernel)(*tuple(_d.values())))

</pallas_src>

<mosaic_0001>
#map = affine_map<(d0, d1) -> (0, 0)>
#map1 = affine_map<(d0, d1) -> (0)>
#map2 = affine_map<(d0, d1) -> (0, 0, 0)>
module attributes {stable_mosaic.version = 14 : i64} {
  func.func @sc_agg(%arg0: i32, %arg1: i32, %arg2: memref<10240x128xf32, #tpu.memory_space<hbm>>, %arg3: memref<320000xi32, #tpu.memory_space<hbm>>, %arg4: memref<320000xi32, #tpu.memory_space<hbm>>, %arg5: memref<2x10240x128xf32, #tpu.memory_space<hbm>>, %arg6: memref<80xi32, #tpu.memory_space<vmem>>, %arg7: memref<80xi32, #tpu.memory_space<vmem>>, %arg8: memref<80x128xf32, #tpu.memory_space<vmem>>, %arg9: memref<10240xf32, #tpu.memory_space<vmem>>, %arg10: memref<10240x128xf32, #tpu.memory_space<vmem_shared>>, %arg11: memref<!tpu.dma_semaphore, #tpu.memory_space<semaphore_mem>>) attributes {dimension_semantics = [#tpu.dimension_semantics<core_parallel>, #tpu.dimension_semantics<subcore_parallel>], iteration_bounds = array<i64: 2, 16>, scalar_prefetch = 0 : i64, scratch_operands = 6 : i64, tpu.core_type = #tpu.core_type<sc_vector_subcore>, window_params = [{transform_indices = #map}, {transform_indices = #map1}, {transform_indices = #map1}, {transform_indices = #map2}]} {
    %mul3A = arith.constant 16 : i32
    %mul3A_0 = arith.muli %arg0, %mul3A : i32
    %add3A = arith.addi %mul3A_0, %arg1 : i32
    %broadcast_in_dim3A = arith.constant 0.000000e+00 : f32
    %broadcast_in_dim3A_1 = vector.broadcast %broadcast_in_dim3A : f32 to vector<16xf32>
    %scan3A = arith.constant 0 : i32
    %scan3A_2 = arith.constant 0 : i32
    %scan3A_3 = arith.constant 80 : i32
    %scan3A_4 = arith.addi %scan3A_2, %scan3A_3 : i32
    %scan3A_5 = arith.constant 1 : i32
    %scan3A_6 = scf.for %scan3A_56 = %scan3A_2 to %scan3A_4 step %scan3A_5 iter_args(%scan3A_57 = %scan3A) -> (i32)  : i32 {
      %swap3A = arith.index_cast %scan3A_56 : i32 to index
      %swap3A_58 = arith.constant 0 : index
      %swap3A_59 = tpu.vector_load %arg8[%swap3A, %swap3A_58] {strides = array<i32>} : memref<80x128xf32, #tpu.memory_space<vmem>>, vector<16xf32>,
      tpu.vector_store %arg8[%swap3A, %swap3A_58], %broadcast_in_dim3A_1 {strides = array<i32>} : memref<80x128xf32, #tpu.memory_space<vmem>>, vector<16xf32>,
      %swap3A_60 = arith.index_cast %scan3A_56 : i32 to index
      %swap3A_61 = arith.constant 16 : index
      %swap3A_62 = tpu.vector_load %arg8[%swap3A_60, %swap3A_61] {strides = array<i32>} : memref<80x128xf32, #tpu.memory_space<vmem>>, vector<16xf32>,
      tpu.vector_store %arg8[%swap3A_60, %swap3A_61], %broadcast_in_dim3A_1 {strides = array<i32>} : memref<80x128xf32, #tpu.memory_space<vmem>>, vector<16xf32>,
      %swap3A_63 = arith.index_cast %scan3A_56 : i32 to index
      %swap3A_64 = arith.constant 32 : index
      %swap3A_65 = tpu.vector_load %arg8[%swap3A_63, %swap3A_64] {strides = array<i32>} : memref<80x128xf32, #tpu.memory_space<vmem>>, vector<16xf32>,
      tpu.vector_store %arg8[%swap3A_63, %swap3A_64], %broadcast_in_dim3A_1 {strides = array<i32>} : memref<80x128xf32, #tpu.memory_space<vmem>>, vector<16xf32>,
      %swap3A_66 = arith.index_cast %scan3A_56 : i32 to index
      %swap3A_67 = arith.constant 48 : index
      %swap3A_68 = tpu.vector_load %arg8[%swap3A_66, %swap3A_67] {strides = array<i32>} : memref<80x128xf32, #tpu.memory_space<vmem>>, vector<16xf32>,
      tpu.vector_store %arg8[%swap3A_66, %swap3A_67], %broadcast_in_dim3A_1 {strides = array<i32>} : memref<80x128xf32, #tpu.memory_space<vmem>>, vector<16xf32>,
      %swap3A_69 = arith.index_cast %scan3A_56 : i32 to index
      %swap3A_70 = arith.constant 64 : index
      %swap3A_71 = tpu.vector_load %arg8[%swap3A_69, %swap3A_70] {strides = array<i32>} : memref<80x128xf32, #tpu.memory_space<vmem>>, vector<16xf32>,
      tpu.vector_store %arg8[%swap3A_69, %swap3A_70], %broadcast_in_dim3A_1 {strides = array<i32>} : memref<80x128xf32, #tpu.memory_space<vmem>>, vector<16xf32>,
      %swap3A_72 = arith.index_cast %scan3A_56 : i32 to index
      %swap3A_73 = arith.constant 80 : index
      %swap3A_74 = tpu.vector_load %arg8[%swap3A_72, %swap3A_73] {strides = array<i32>} : memref<80x128xf32, #tpu.memory_space<vmem>>, vector<16xf32>,
      tpu.vector_store %arg8[%swap3A_72, %swap3A_73], %broadcast_in_dim3A_1 {strides = array<i32>} : memref<80x128xf32, #tpu.memory_space<vmem>>, vector<16xf32>,
      %swap3A_75 = arith.index_cast %scan3A_56 : i32 to index
      %swap3A_76 = arith.constant 96 : index
      %swap3A_77 = tpu.vector_load %arg8[%swap3A_75, %swap3A_76] {strides = array<i32>} : memref<80x128xf32, #tpu.memory_space<vmem>>, vector<16xf32>,
      tpu.vector_store %arg8[%swap3A_75, %swap3A_76], %broadcast_in_dim3A_1 {strides = array<i32>} : memref<80x128xf32, #tpu.memory_space<vmem>>, vector<16xf32>,
      %swap3A_78 = arith.index_cast %scan3A_56 : i32 to index
      %swap3A_79 = arith.constant 112 : index
      %swap3A_80 = tpu.vector_load %arg8[%swap3A_78, %swap3A_79] {strides = array<i32>} : memref<80x128xf32, #tpu.memory_space<vmem>>, vector<16xf32>,
      tpu.vector_store %arg8[%swap3A_78, %swap3A_79], %broadcast_in_dim3A_1 {strides = array<i32>} : memref<80x128xf32, #tpu.memory_space<vmem>>, vector<16xf32>,
      %scan3A_81 = arith.constant 0 : i32
      scf.yield %scan3A_81 : i32
    }
    %scan3A_7 = arith.constant 80 : i32
    %mul3A_8 = arith.constant 640 : i32
    %mul3A_9 = arith.muli %arg1, %mul3A_8 : i32
    %add3A_10 = arith.constant 0 : i32
    %add3A_11 = arith.addi %mul3A_9, %add3A_10 : i32
    "tpu.region"() ({
      %run_scoped3A = tpu.sem_alloc : memref<!tpu.dma_semaphore, #tpu.memory_space<semaphore_mem>>
      %dma_start3A = arith.constant 0 : i32
      %dma_start3A_56 = tpu.memref_slice %arg10[%add3A_11, %dma_start3A] : memref<10240x128xf32, #tpu.memory_space<vmem_shared>> -> memref<80x128xf32, #tpu.memory_space<vmem_shared>>
      %dma_start3A_57 = arith.constant 0 : i32
      %dma_start3A_58 = tpu.memref_slice %arg10[%add3A_11, %dma_start3A_57] : memref<10240x128xf32, #tpu.memory_space<vmem_shared>> -> memref<80x128xf32, #tpu.memory_space<vmem_shared>>
      tpu.enqueue_dma source(%arg8 : memref<80x128xf32, #tpu.memory_space<vmem>>) target(%dma_start3A_58 : memref<80x128xf32, #tpu.memory_space<vmem_shared>>) target_semaphore(%run_scoped3A : memref<!tpu.dma_semaphore, #tpu.memory_space<semaphore_mem>>)
      %dma_wait3A = arith.constant 0 : i32
      %dma_wait3A_59 = tpu.memref_slice %arg10[%add3A_11, %dma_wait3A] : memref<10240x128xf32, #tpu.memory_space<vmem_shared>> -> memref<80x128xf32, #tpu.memory_space<vmem_shared>>
      %dma_wait3A_60 = arith.constant 0 : i32
      %dma_wait3A_61 = tpu.memref_slice %arg10[%add3A_11, %dma_wait3A_60] : memref<10240x128xf32, #tpu.memory_space<vmem_shared>> -> memref<80x128xf32, #tpu.memory_space<vmem_shared>>
      tpu.wait_dma2 semaphore(%run_scoped3A : memref<!tpu.dma_semaphore, #tpu.memory_space<semaphore_mem>>) src(%arg8 : memref<80x128xf32, #tpu.memory_space<vmem>>) dst(%dma_wait3A_61 : memref<80x128xf32, #tpu.memory_space<vmem_shared>>)
      tpu.yield
    }) : () -> ()
    %mul3A_12 = arith.constant 640 : i32
    %mul3A_13 = arith.muli %arg1, %mul3A_12 : i32
    %add3A_14 = arith.constant 80 : i32
    %add3A_15 = arith.addi %mul3A_13, %add3A_14 : i32
    "tpu.region"() ({
      %run_scoped3A = tpu.sem_alloc : memref<!tpu.dma_semaphore, #tpu.memory_space<semaphore_mem>>
      %dma_start3A = arith.constant 0 : i32
      %dma_start3A_56 = tpu.memref_slice %arg10[%add3A_15, %dma_start3A] : memref<10240x128xf32, #tpu.memory_space<vmem_shared>> -> memref<80x128xf32, #tpu.memory_space<vmem_shared>>
      %dma_start3A_57 = arith.constant 0 : i32
      %dma_start3A_58 = tpu.memref_slice %arg10[%add3A_15, %dma_start3A_57] : memref<10240x128xf32, #tpu.memory_space<vmem_shared>> -> memref<80x128xf32, #tpu.memory_space<vmem_shared>>
      tpu.enqueue_dma source(%arg8 : memref<80x128xf32, #tpu.memory_space<vmem>>) target(%dma_start3A_58 : memref<80x128xf32, #tpu.memory_space<vmem_shared>>) target_semaphore(%run_scoped3A : memref<!tpu.dma_semaphore, #tpu.memory_space<semaphore_mem>>)
      %dma_wait3A = arith.constant 0 : i32
      %dma_wait3A_59 = tpu.memref_slice %arg10[%add3A_15, %dma_wait3A] : memref<10240x128xf32, #tpu.memory_space<vmem_shared>> -> memref<80x128xf32, #tpu.memory_space<vmem_shared>>
      %dma_wait3A_60 = arith.constant 0 : i32
      %dma_wait3A_61 = tpu.memref_slice %arg10[%add3A_15, %dma_wait3A_60] : memref<10240x128xf32, #tpu.memory_space<vmem_shared>> -> memref<80x128xf32, #tpu.memory_space<vmem_shared>>
      tpu.wait_dma2 semaphore(%run_scoped3A : memref<!tpu.dma_semaphore, #tpu.memory_space<semaphore_mem>>) src(%arg8 : memref<80x128xf32, #tpu.memory_space<vmem>>) dst(%dma_wait3A_61 : memref<80x128xf32, #tpu.memory_space<vmem_shared>>)
      tpu.yield
    }) : () -> ()
    %mul3A_16 = arith.constant 640 : i32
    %mul3A_17 = arith.muli %arg1, %mul3A_16 : i32
    %add3A_18 = arith.constant 160 : i32
    %add3A_19 = arith.addi %mul3A_17, %add3A_18 : i32
    "tpu.region"() ({
      %run_scoped3A = tpu.sem_alloc : memref<!tpu.dma_semaphore, #tpu.memory_space<semaphore_mem>>
      %dma_start3A = arith.constant 0 : i32
      %dma_start3A_56 = tpu.memref_slice %arg10[%add3A_19, %dma_start3A] : memref<10240x128xf32, #tpu.memory_space<vmem_shared>> -> memref<80x128xf32, #tpu.memory_space<vmem_shared>>
      %dma_start3A_57 = arith.constant 0 : i32
      %dma_start3A_58 = tpu.memref_slice %arg10[%add3A_19, %dma_start3A_57] : memref<10240x128xf32, #tpu.memory_space<vmem_shared>> -> memref<80x128xf32, #tpu.memory_space<vmem_shared>>
      tpu.enqueue_dma source(%arg8 : memref<80x128xf32, #tpu.memory_space<vmem>>) target(%dma_start3A_58 : memref<80x128xf32, #tpu.memory_space<vmem_shared>>) target_semaphore(%run_scoped3A : memref<!tpu.dma_semaphore, #tpu.memory_space<semaphore_mem>>)
      %dma_wait3A = arith.constant 0 : i32
      %dma_wait3A_59 = tpu.memref_slice %arg10[%add3A_19, %dma_wait3A] : memref<10240x128xf32, #tpu.memory_space<vmem_shared>> -> memref<80x128xf32, #tpu.memory_space<vmem_shared>>
      %dma_wait3A_60 = arith.constant 0 : i32
      %dma_wait3A_61 = tpu.memref_slice %arg10[%add3A_19, %dma_wait3A_60] : memref<10240x128xf32, #tpu.memory_space<vmem_shared>> -> memref<80x128xf32, #tpu.memory_space<vmem_shared>>
      tpu.wait_dma2 semaphore(%run_scoped3A : memref<!tpu.dma_semaphore, #tpu.memory_space<semaphore_mem>>) src(%arg8 : memref<80x128xf32, #tpu.memory_space<vmem>>) dst(%dma_wait3A_61 : memref<80x128xf32, #tpu.memory_space<vmem_shared>>)
      tpu.yield
    }) : () -> ()
    %mul3A_20 = arith.constant 640 : i32
    %mul3A_21 = arith.muli %arg1, %mul3A_20 : i32
    %add3A_22 = arith.constant 240 : i32
    %add3A_23 = arith.addi %mul3A_21, %add3A_22 : i32
    "tpu.region"() ({
      %run_scoped3A = tpu.sem_alloc : memref<!tpu.dma_semaphore, #tpu.memory_space<semaphore_mem>>
      %dma_start3A = arith.constant 0 : i32
      %dma_start3A_56 = tpu.memref_slice %arg10[%add3A_23, %dma_start3A] : memref<10240x128xf32, #tpu.memory_space<vmem_shared>> -> memref<80x128xf32, #tpu.memory_space<vmem_shared>>
      %dma_start3A_57 = arith.constant 0 : i32
      %dma_start3A_58 = tpu.memref_slice %arg10[%add3A_23, %dma_start3A_57] : memref<10240x128xf32, #tpu.memory_space<vmem_shared>> -> memref<80x128xf32, #tpu.memory_space<vmem_shared>>
      tpu.enqueue_dma source(%arg8 : memref<80x128xf32, #tpu.memory_space<vmem>>) target(%dma_start3A_58 : memref<80x128xf32, #tpu.memory_space<vmem_shared>>) target_semaphore(%run_scoped3A : memref<!tpu.dma_semaphore, #tpu.memory_space<semaphore_mem>>)
      %dma_wait3A = arith.constant 0 : i32
      %dma_wait3A_59 = tpu.memref_slice %arg10[%add3A_23, %dma_wait3A] : memref<10240x128xf32, #tpu.memory_space<vmem_shared>> -> memref<80x128xf32, #tpu.memory_space<vmem_shared>>
      %dma_wait3A_60 = arith.constant 0 : i32
      %dma_wait3A_61 = tpu.memref_slice %arg10[%add3A_23, %dma_wait3A_60] : memref<10240x128xf32, #tpu.memory_space<vmem_shared>> -> memref<80x128xf32, #tpu.memory_space<vmem_shared>>
      tpu.wait_dma2 semaphore(%run_scoped3A : memref<!tpu.dma_semaphore, #tpu.memory_space<semaphore_mem>>) src(%arg8 : memref<80x128xf32, #tpu.memory_space<vmem>>) dst(%dma_wait3A_61 : memref<80x128xf32, #tpu.memory_space<vmem_shared>>)
      tpu.yield
    }) : () -> ()
    %mul3A_24 = arith.constant 640 : i32
    %mul3A_25 = arith.muli %arg1, %mul3A_24 : i32
    %add3A_26 = arith.constant 320 : i32
    %add3A_27 = arith.addi %mul3A_25, %add3A_26 : i32
    "tpu.region"() ({
      %run_scoped3A = tpu.sem_alloc : memref<!tpu.dma_semaphore, #tpu.memory_space<semaphore_mem>>
      %dma_start3A = arith.constant 0 : i32
      %dma_start3A_56 = tpu.memref_slice %arg10[%add3A_27, %dma_start3A] : memref<10240x128xf32, #tpu.memory_space<vmem_shared>> -> memref<80x128xf32, #tpu.memory_space<vmem_shared>>
      %dma_start3A_57 = arith.constant 0 : i32
      %dma_start3A_58 = tpu.memref_slice %arg10[%add3A_27, %dma_start3A_57] : memref<10240x128xf32, #tpu.memory_space<vmem_shared>> -> memref<80x128xf32, #tpu.memory_space<vmem_shared>>
      tpu.enqueue_dma source(%arg8 : memref<80x128xf32, #tpu.memory_space<vmem>>) target(%dma_start3A_58 : memref<80x128xf32, #tpu.memory_space<vmem_shared>>) target_semaphore(%run_scoped3A : memref<!tpu.dma_semaphore, #tpu.memory_space<semaphore_mem>>)
      %dma_wait3A = arith.constant 0 : i32
      %dma_wait3A_59 = tpu.memref_slice %arg10[%add3A_27, %dma_wait3A] : memref<10240x128xf32, #tpu.memory_space<vmem_shared>> -> memref<80x128xf32, #tpu.memory_space<vmem_shared>>
      %dma_wait3A_60 = arith.constant 0 : i32
      %dma_wait3A_61 = tpu.memref_slice %arg10[%add3A_27, %dma_wait3A_60] : memref<10240x128xf32, #tpu.memory_space<vmem_shared>> -> memref<80x128xf32, #tpu.memory_space<vmem_shared>>
      tpu.wait_dma2 semaphore(%run_scoped3A : memref<!tpu.dma_semaphore, #tpu.memory_space<semaphore_mem>>) src(%arg8 : memref<80x128xf32, #tpu.memory_space<vmem>>) dst(%dma_wait3A_61 : memref<80x128xf32, #tpu.memory_space<vmem_shared>>)
      tpu.yield
    }) : () -> ()
    %mul3A_28 = arith.constant 640 : i32
    %mul3A_29 = arith.muli %arg1, %mul3A_28 : i32
    %add3A_30 = arith.constant 400 : i32
    %add3A_31 = arith.addi %mul3A_29, %add3A_30 : i32
    "tpu.region"() ({
      %run_scoped3A = tpu.sem_alloc : memref<!tpu.dma_semaphore, #tpu.memory_space<semaphore_mem>>
      %dma_start3A = arith.constant 0 : i32
      %dma_start3A_56 = tpu.memref_slice %arg10[%add3A_31, %dma_start3A] : memref<10240x128xf32, #tpu.memory_space<vmem_shared>> -> memref<80x128xf32, #tpu.memory_space<vmem_shared>>
      %dma_start3A_57 = arith.constant 0 : i32
      %dma_start3A_58 = tpu.memref_slice %arg10[%add3A_31, %dma_start3A_57] : memref<10240x128xf32, #tpu.memory_space<vmem_shared>> -> memref<80x128xf32, #tpu.memory_space<vmem_shared>>
      tpu.enqueue_dma source(%arg8 : memref<80x128xf32, #tpu.memory_space<vmem>>) target(%dma_start3A_58 : memref<80x128xf32, #tpu.memory_space<vmem_shared>>) target_semaphore(%run_scoped3A : memref<!tpu.dma_semaphore, #tpu.memory_space<semaphore_mem>>)
      %dma_wait3A = arith.constant 0 : i32
      %dma_wait3A_59 = tpu.memref_slice %arg10[%add3A_31, %dma_wait3A] : memref<10240x128xf32, #tpu.memory_space<vmem_shared>> -> memref<80x128xf32, #tpu.memory_space<vmem_shared>>
      %dma_wait3A_60 = arith.constant 0 : i32
      %dma_wait3A_61 = tpu.memref_slice %arg10[%add3A_31, %dma_wait3A_60] : memref<10240x128xf32, #tpu.memory_space<vmem_shared>> -> memref<80x128xf32, #tpu.memory_space<vmem_shared>>
      tpu.wait_dma2 semaphore(%run_scoped3A : memref<!tpu.dma_semaphore, #tpu.memory_space<semaphore_mem>>) src(%arg8 : memref<80x128xf32, #tpu.memory_space<vmem>>) dst(%dma_wait3A_61 : memref<80x128xf32, #tpu.memory_space<vmem_shared>>)
      tpu.yield
    }) : () -> ()
    %mul3A_32 = arith.constant 640 : i32
    %mul3A_33 = arith.muli %arg1, %mul3A_32 : i32
    %add3A_34 = arith.constant 480 : i32
    %add3A_35 = arith.addi %mul3A_33, %add3A_34 : i32
    "tpu.region"() ({
      %run_scoped3A = tpu.sem_alloc : memref<!tpu.dma_semaphore, #tpu.memory_space<semaphore_mem>>
      %dma_start3A = arith.constant 0 : i32
      %dma_start3A_56 = tpu.memref_slice %arg10[%add3A_35, %dma_start3A] : memref<10240x128xf32, #tpu.memory_space<vmem_shared>> -> memref<80x128xf32, #tpu.memory_space<vmem_shared>>
      %dma_start3A_57 = arith.constant 0 : i32
      %dma_start3A_58 = tpu.memref_slice %arg10[%add3A_35, %dma_start3A_57] : memref<10240x128xf32, #tpu.memory_space<vmem_shared>> -> memref<80x128xf32, #tpu.memory_space<vmem_shared>>
      tpu.enqueue_dma source(%arg8 : memref<80x128xf32, #tpu.memory_space<vmem>>) target(%dma_start3A_58 : memref<80x128xf32, #tpu.memory_space<vmem_shared>>) target_semaphore(%run_scoped3A : memref<!tpu.dma_semaphore, #tpu.memory_space<semaphore_mem>>)
      %dma_wait3A = arith.constant 0 : i32
      %dma_wait3A_59 = tpu.memref_slice %arg10[%add3A_35, %dma_wait3A] : memref<10240x128xf32, #tpu.memory_space<vmem_shared>> -> memref<80x128xf32, #tpu.memory_space<vmem_shared>>
      %dma_wait3A_60 = arith.constant 0 : i32
      %dma_wait3A_61 = tpu.memref_slice %arg10[%add3A_35, %dma_wait3A_60] : memref<10240x128xf32, #tpu.memory_space<vmem_shared>> -> memref<80x128xf32, #tpu.memory_space<vmem_shared>>
      tpu.wait_dma2 semaphore(%run_scoped3A : memref<!tpu.dma_semaphore, #tpu.memory_space<semaphore_mem>>) src(%arg8 : memref<80x128xf32, #tpu.memory_space<vmem>>) dst(%dma_wait3A_61 : memref<80x128xf32, #tpu.memory_space<vmem_shared>>)
      tpu.yield
    }) : () -> ()
    %mul3A_36 = arith.constant 640 : i32
    %mul3A_37 = arith.muli %arg1, %mul3A_36 : i32
    %add3A_38 = arith.constant 560 : i32
    %add3A_39 = arith.addi %mul3A_37, %add3A_38 : i32
    "tpu.region"() ({
      %run_scoped3A = tpu.sem_alloc : memref<!tpu.dma_semaphore, #tpu.memory_space<semaphore_mem>>
      %dma_start3A = arith.constant 0 : i32
      %dma_start3A_56 = tpu.memref_slice %arg10[%add3A_39, %dma_start3A] : memref<10240x128xf32, #tpu.memory_space<vmem_shared>> -> memref<80x128xf32, #tpu.memory_space<vmem_shared>>
      %dma_start3A_57 = arith.constant 0 : i32
      %dma_start3A_58 = tpu.memref_slice %arg10[%add3A_39, %dma_start3A_57] : memref<10240x128xf32, #tpu.memory_space<vmem_shared>> -> memref<80x128xf32, #tpu.memory_space<vmem_shared>>
      tpu.enqueue_dma source(%arg8 : memref<80x128xf32, #tpu.memory_space<vmem>>) target(%dma_start3A_58 : memref<80x128xf32, #tpu.memory_space<vmem_shared>>) target_semaphore(%run_scoped3A : memref<!tpu.dma_semaphore, #tpu.memory_space<semaphore_mem>>)
      %dma_wait3A = arith.constant 0 : i32
      %dma_wait3A_59 = tpu.memref_slice %arg10[%add3A_39, %dma_wait3A] : memref<10240x128xf32, #tpu.memory_space<vmem_shared>> -> memref<80x128xf32, #tpu.memory_space<vmem_shared>>
      %dma_wait3A_60 = arith.constant 0 : i32
      %dma_wait3A_61 = tpu.memref_slice %arg10[%add3A_39, %dma_wait3A_60] : memref<10240x128xf32, #tpu.memory_space<vmem_shared>> -> memref<80x128xf32, #tpu.memory_space<vmem_shared>>
      tpu.wait_dma2 semaphore(%run_scoped3A : memref<!tpu.dma_semaphore, #tpu.memory_space<semaphore_mem>>) src(%arg8 : memref<80x128xf32, #tpu.memory_space<vmem>>) dst(%dma_wait3A_61 : memref<80x128xf32, #tpu.memory_space<vmem_shared>>)
      tpu.yield
    }) : () -> ()
    %barrier3A = arith.constant 0 : index
    tpu.barrier barrier_id(%barrier3A)
    %broadcast_in_dim3A_40 = arith.constant 1.000000e+00 : f32
    %broadcast_in_dim3A_41 = vector.broadcast %broadcast_in_dim3A_40 : f32 to vector<16xf32>
    %mul3A_42 = arith.constant 10000 : i32
    %mul3A_43 = arith.muli %add3A, %mul3A_42 : i32
    %scan3A_44 = arith.constant 0 : i32
    %scan3A_45 = arith.constant 0 : i32
    %scan3A_46 = arith.constant 125 : i32
    %scan3A_47 = arith.addi %scan3A_45, %scan3A_46 : i32
    %scan3A_48 = arith.constant 1 : i32
    %scan3A_49 = scf.for %scan3A_56 = %scan3A_45 to %scan3A_47 step %scan3A_48 iter_args(%scan3A_57 = %scan3A_44) -> (i32)  : i32 {
      %mul3A_58 = arith.constant 80 : i32
      %mul3A_59 = arith.muli %scan3A_56, %mul3A_58 : i32
      %add3A_60 = arith.addi %mul3A_43, %mul3A_59 : i32
      "tpu.region"() ({
        %run_scoped3A = tpu.sem_alloc : memref<!tpu.dma_semaphore, #tpu.memory_space<semaphore_mem>>
        %dma_start3A_66 = tpu.memref_slice %arg3[%add3A_60] : memref<320000xi32, #tpu.memory_space<hbm>> -> memref<80xi32, #tpu.memory_space<hbm>>
        %dma_start3A_67 = tpu.memref_slice %arg3[%add3A_60] : memref<320000xi32, #tpu.memory_space<hbm>> -> memref<80xi32, #tpu.memory_space<hbm>>
        tpu.enqueue_dma source(%dma_start3A_67 : memref<80xi32, #tpu.memory_space<hbm>>) target(%arg6 : memref<80xi32, #tpu.memory_space<vmem>>) target_semaphore(%run_scoped3A : memref<!tpu.dma_semaphore, #tpu.memory_space<semaphore_mem>>)
        %dma_wait3A_68 = tpu.memref_slice %arg3[%add3A_60] : memref<320000xi32, #tpu.memory_space<hbm>> -> memref<80xi32, #tpu.memory_space<hbm>>
        %dma_wait3A_69 = tpu.memref_slice %arg3[%add3A_60] : memref<320000xi32, #tpu.memory_space<hbm>> -> memref<80xi32, #tpu.memory_space<hbm>>
        tpu.wait_dma2 semaphore(%run_scoped3A : memref<!tpu.dma_semaphore, #tpu.memory_space<semaphore_mem>>) src(%dma_wait3A_69 : memref<80xi32, #tpu.memory_space<hbm>>) dst(%arg6 : memref<80xi32, #tpu.memory_space<vmem>>)
        tpu.yield
      }) : () -> ()
      "tpu.region"() ({
        %run_scoped3A = tpu.sem_alloc : memref<!tpu.dma_semaphore, #tpu.memory_space<semaphore_mem>>
        %dma_start3A_66 = tpu.memref_slice %arg4[%add3A_60] : memref<320000xi32, #tpu.memory_space<hbm>> -> memref<80xi32, #tpu.memory_space<hbm>>
        %dma_start3A_67 = tpu.memref_slice %arg4[%add3A_60] : memref<320000xi32, #tpu.memory_space<hbm>> -> memref<80xi32, #tpu.memory_space<hbm>>
        tpu.enqueue_dma source(%dma_start3A_67 : memref<80xi32, #tpu.memory_space<hbm>>) target(%arg7 : memref<80xi32, #tpu.memory_space<vmem>>) target_semaphore(%run_scoped3A : memref<!tpu.dma_semaphore, #tpu.memory_space<semaphore_mem>>)
        %dma_wait3A_68 = tpu.memref_slice %arg4[%add3A_60] : memref<320000xi32, #tpu.memory_space<hbm>> -> memref<80xi32, #tpu.memory_space<hbm>>
        %dma_wait3A_69 = tpu.memref_slice %arg4[%add3A_60] : memref<320000xi32, #tpu.memory_space<hbm>> -> memref<80xi32, #tpu.memory_space<hbm>>
        tpu.wait_dma2 semaphore(%run_scoped3A : memref<!tpu.dma_semaphore, #tpu.memory_space<semaphore_mem>>) src(%dma_wait3A_69 : memref<80xi32, #tpu.memory_space<hbm>>) dst(%arg7 : memref<80xi32, #tpu.memory_space<vmem>>)
        tpu.yield
      }) : () -> ()
      %dma_start3A = arith.constant 0 : i32
      %dma_start3A_61 = arith.constant 0 : i32
      %dma_start3A_62 = tpu.memref_slice %arg2[%dma_start3A, %dma_start3A_61] : memref<10240x128xf32, #tpu.memory_space<hbm>> -> memref<10240x128xf32, #tpu.memory_space<hbm>>
      tpu.enqueue_indirect_dma source(%dma_start3A_62 : memref<10240x128xf32, #tpu.memory_space<hbm>>) target(%arg8 : memref<80x128xf32, #tpu.memory_space<vmem>>) offsets(%arg6 : memref<80xi32, #tpu.memory_space<vmem>>) semaphore(%arg11 : memref<!tpu.dma_semaphore, #tpu.memory_space<semaphore_mem>>)
      %dma_wait3A = arith.constant 0 : i32
      %dma_wait3A_63 = arith.constant 0 : i32
      %dma_wait3A_64 = tpu.memref_slice %arg2[%dma_wait3A, %dma_wait3A_63] : memref<10240x128xf32, #tpu.memory_space<hbm>> -> memref<10240x128xf32, #tpu.memory_space<hbm>>
      tpu.wait_indirect_dma semaphore(%arg11 : memref<!tpu.dma_semaphore, #tpu.memory_space<semaphore_mem>>) src(%dma_wait3A_64 : memref<10240x128xf32, #tpu.memory_space<hbm>>) dst(%arg8 : memref<80x128xf32, #tpu.memory_space<vmem>>)
      "tpu.region"() ({
        %run_scoped3A = tpu.sem_alloc : memref<!tpu.dma_semaphore, #tpu.memory_space<semaphore_mem>>
        %dma_start3A_66 = arith.constant 0 : i32
        %dma_start3A_67 = arith.constant 0 : i32
        %dma_start3A_68 = tpu.memref_slice %arg10[%dma_start3A_66, %dma_start3A_67] : memref<10240x128xf32, #tpu.memory_space<vmem_shared>> -> memref<10240x128xf32, #tpu.memory_space<vmem_shared>>
        tpu.enqueue_indirect_dma source(%arg8 : memref<80x128xf32, #tpu.memory_space<vmem>>) target(%dma_start3A_68 : memref<10240x128xf32, #tpu.memory_space<vmem_shared>>) offsets(%arg7 : memref<80xi32, #tpu.memory_space<vmem>>) semaphore(%run_scoped3A : memref<!tpu.dma_semaphore, #tpu.memory_space<semaphore_mem>>) {add = true}
        %dma_wait3A_69 = arith.constant 0 : i32
        %dma_wait3A_70 = arith.constant 0 : i32
        %dma_wait3A_71 = tpu.memref_slice %arg10[%dma_wait3A_69, %dma_wait3A_70] : memref<10240x128xf32, #tpu.memory_space<vmem_shared>> -> memref<10240x128xf32, #tpu.memory_space<vmem_shared>>
        tpu.wait_indirect_dma semaphore(%run_scoped3A : memref<!tpu.dma_semaphore, #tpu.memory_space<semaphore_mem>>) src(%arg8 : memref<80x128xf32, #tpu.memory_space<vmem>>) dst(%dma_wait3A_71 : memref<10240x128xf32, #tpu.memory_space<vmem_shared>>)
        tpu.yield
      }) : () -> ()
      %scan3A_65 = arith.constant 0 : i32
      scf.yield %scan3A_65 : i32
    }
    %scan3A_50 = arith.constant 125 : i32
    %barrier3A_51 = arith.constant 0 : index
    tpu.barrier barrier_id(%barrier3A_51)
    %mul3A_52 = arith.constant 640 : i32
    %mul3A_53 = arith.muli %arg1, %mul3A_52 : i32
    %mul3A_54 = arith.constant 640 : i32
    %mul3A_55 = arith.muli %arg1, %mul3A_54 : i32
    "tpu.region"() ({
      %run_scoped3A = tpu.sem_alloc : memref<!tpu.dma_semaphore, #tpu.memory_space<semaphore_mem>>
      %dma_start3A = arith.constant 0 : i32
      %dma_start3A_56 = tpu.memref_slice %arg5[%arg0, %mul3A_55, %dma_start3A] : memref<2x10240x128xf32, #tpu.memory_space<hbm>> -> memref<1x640x128xf32, #tpu.memory_space<hbm>>
      %dma_start3A_57 = tpu.memref_squeeze %dma_start3A_56 : memref<1x640x128xf32, #tpu.memory_space<hbm>> -> memref<640x128xf32, #tpu.memory_space<hbm>>
      %dma_start3A_58 = arith.constant 0 : i32
      %dma_start3A_59 = tpu.memref_slice %arg10[%mul3A_53, %dma_start3A_58] : memref<10240x128xf32, #tpu.memory_space<vmem_shared>> -> memref<640x128xf32, #tpu.memory_space<vmem_shared>>
      tpu.enqueue_dma source(%dma_start3A_59 : memref<640x128xf32, #tpu.memory_space<vmem_shared>>) target(%dma_start3A_57 : memref<640x128xf32, #tpu.memory_space<hbm>>) target_semaphore(%run_scoped3A : memref<!tpu.dma_semaphore, #tpu.memory_space<semaphore_mem>>)
      %dma_wait3A = arith.constant 0 : i32
      %dma_wait3A_60 = tpu.memref_slice %arg5[%arg0, %mul3A_55, %dma_wait3A] : memref<2x10240x128xf32, #tpu.memory_space<hbm>> -> memref<1x640x128xf32, #tpu.memory_space<hbm>>
      %dma_wait3A_61 = tpu.memref_squeeze %dma_wait3A_60 : memref<1x640x128xf32, #tpu.memory_space<hbm>> -> memref<640x128xf32, #tpu.memory_space<hbm>>
      %dma_wait3A_62 = arith.constant 0 : i32
      %dma_wait3A_63 = tpu.memref_slice %arg10[%mul3A_53, %dma_wait3A_62] : memref<10240x128xf32, #tpu.memory_space<vmem_shared>> -> memref<640x128xf32, #tpu.memory_space<vmem_shared>>
      tpu.wait_dma2 semaphore(%run_scoped3A : memref<!tpu.dma_semaphore, #tpu.memory_space<semaphore_mem>>) src(%dma_wait3A_63 : memref<640x128xf32, #tpu.memory_space<vmem_shared>>) dst(%dma_wait3A_61 : memref<640x128xf32, #tpu.memory_space<hbm>>)
      tpu.yield
    }) : () -> ()
    return
  }
}

#map = affine_map<(d0, d1) -> (0, 0)>
#map1 = affine_map<(d0, d1) -> (0)>
#map2 = affine_map<(d0, d1) -> (0, 0, 0)>
module attributes {stable_mosaic.version = 14 : i64} {
  func.func @sc_agg_deg(%arg0: i32, %arg1: i32, %arg2: memref<10240x128xf32, #tpu.memory_space<hbm>>, %arg3: memref<320000xi32, #tpu.memory_space<hbm>>, %arg4: memref<320000xi32, #tpu.memory_space<hbm>>, %arg5: memref<2x10240x128xf32, #tpu.memory_space<hbm>>, %arg6: memref<32x10240xf32, #tpu.memory_space<hbm>>, %arg7: memref<80xi32, #tpu.memory_space<vmem>>, %arg8: memref<80xi32, #tpu.memory_space<vmem>>, %arg9: memref<80x128xf32, #tpu.memory_space<vmem>>, %arg10: memref<10240xf32, #tpu.memory_space<vmem>>, %arg11: memref<10240x128xf32, #tpu.memory_space<vmem_shared>>, %arg12: memref<!tpu.dma_semaphore, #tpu.memory_space<semaphore_mem>>) attributes {dimension_semantics = [#tpu.dimension_semantics<core_parallel>, #tpu.dimension_semantics<subcore_parallel>], iteration_bounds = array<i64: 2, 16>, scalar_prefetch = 0 : i64, scratch_operands = 6 : i64, tpu.core_type = #tpu.core_type<sc_vector_subcore>, window_params = [{transform_indices = #map}, {transform_indices = #map1}, {transform_indices = #map1}, {transform_indices = #map2}, {transform_indices = #map}]} {
    %mul3A = arith.constant 16 : i32
    %mul3A_0 = arith.muli %arg0, %mul3A : i32
    %add3A = arith.addi %mul3A_0, %arg1 : i32
    %broadcast_in_dim3A = arith.constant 0.000000e+00 : f32
    %broadcast_in_dim3A_1 = vector.broadcast %broadcast_in_dim3A : f32 to vector<16xf32>
    %scan3A = arith.constant 0 : i32
    %scan3A_2 = arith.constant 0 : i32
    %scan3A_3 = arith.constant 80 : i32
    %scan3A_4 = arith.addi %scan3A_2, %scan3A_3 : i32
    %scan3A_5 = arith.constant 1 : i32
    %scan3A_6 = scf.for %scan3A_65 = %scan3A_2 to %scan3A_4 step %scan3A_5 iter_args(%scan3A_66 = %scan3A) -> (i32)  : i32 {
      %swap3A = arith.index_cast %scan3A_65 : i32 to index
      %swap3A_67 = arith.constant 0 : index
      %swap3A_68 = tpu.vector_load %arg9[%swap3A, %swap3A_67] {strides = array<i32>} : memref<80x128xf32, #tpu.memory_space<vmem>>, vector<16xf32>,
      tpu.vector_store %arg9[%swap3A, %swap3A_67], %broadcast_in_dim3A_1 {strides = array<i32>} : memref<80x128xf32, #tpu.memory_space<vmem>>, vector<16xf32>,
      %swap3A_69 = arith.index_cast %scan3A_65 : i32 to index
      %swap3A_70 = arith.constant 16 : index
      %swap3A_71 = tpu.vector_load %arg9[%swap3A_69, %swap3A_70] {strides = array<i32>} : memref<80x128xf32, #tpu.memory_space<vmem>>, vector<16xf32>,
      tpu.vector_store %arg9[%swap3A_69, %swap3A_70], %broadcast_in_dim3A_1 {strides = array<i32>} : memref<80x128xf32, #tpu.memory_space<vmem>>, vector<16xf32>,
      %swap3A_72 = arith.index_cast %scan3A_65 : i32 to index
      %swap3A_73 = arith.constant 32 : index
      %swap3A_74 = tpu.vector_load %arg9[%swap3A_72, %swap3A_73] {strides = array<i32>} : memref<80x128xf32, #tpu.memory_space<vmem>>, vector<16xf32>,
      tpu.vector_store %arg9[%swap3A_72, %swap3A_73], %broadcast_in_dim3A_1 {strides = array<i32>} : memref<80x128xf32, #tpu.memory_space<vmem>>, vector<16xf32>,
      %swap3A_75 = arith.index_cast %scan3A_65 : i32 to index
      %swap3A_76 = arith.constant 48 : index
      %swap3A_77 = tpu.vector_load %arg9[%swap3A_75, %swap3A_76] {strides = array<i32>} : memref<80x128xf32, #tpu.memory_space<vmem>>, vector<16xf32>,
      tpu.vector_store %arg9[%swap3A_75, %swap3A_76], %broadcast_in_dim3A_1 {strides = array<i32>} : memref<80x128xf32, #tpu.memory_space<vmem>>, vector<16xf32>,
      %swap3A_78 = arith.index_cast %scan3A_65 : i32 to index
      %swap3A_79 = arith.constant 64 : index
      %swap3A_80 = tpu.vector_load %arg9[%swap3A_78, %swap3A_79] {strides = array<i32>} : memref<80x128xf32, #tpu.memory_space<vmem>>, vector<16xf32>,
      tpu.vector_store %arg9[%swap3A_78, %swap3A_79], %broadcast_in_dim3A_1 {strides = array<i32>} : memref<80x128xf32, #tpu.memory_space<vmem>>, vector<16xf32>,
      %swap3A_81 = arith.index_cast %scan3A_65 : i32 to index
      %swap3A_82 = arith.constant 80 : index
      %swap3A_83 = tpu.vector_load %arg9[%swap3A_81, %swap3A_82] {strides = array<i32>} : memref<80x128xf32, #tpu.memory_space<vmem>>, vector<16xf32>,
      tpu.vector_store %arg9[%swap3A_81, %swap3A_82], %broadcast_in_dim3A_1 {strides = array<i32>} : memref<80x128xf32, #tpu.memory_space<vmem>>, vector<16xf32>,
      %swap3A_84 = arith.index_cast %scan3A_65 : i32 to index
      %swap3A_85 = arith.constant 96 : index
      %swap3A_86 = tpu.vector_load %arg9[%swap3A_84, %swap3A_85] {strides = array<i32>} : memref<80x128xf32, #tpu.memory_space<vmem>>, vector<16xf32>,
      tpu.vector_store %arg9[%swap3A_84, %swap3A_85], %broadcast_in_dim3A_1 {strides = array<i32>} : memref<80x128xf32, #tpu.memory_space<vmem>>, vector<16xf32>,
      %swap3A_87 = arith.index_cast %scan3A_65 : i32 to index
      %swap3A_88 = arith.constant 112 : index
      %swap3A_89 = tpu.vector_load %arg9[%swap3A_87, %swap3A_88] {strides = array<i32>} : memref<80x128xf32, #tpu.memory_space<vmem>>, vector<16xf32>,
      tpu.vector_store %arg9[%swap3A_87, %swap3A_88], %broadcast_in_dim3A_1 {strides = array<i32>} : memref<80x128xf32, #tpu.memory_space<vmem>>, vector<16xf32>,
      %scan3A_90 = arith.constant 0 : i32
      scf.yield %scan3A_90 : i32
    }
    %scan3A_7 = arith.constant 80 : i32
    %mul3A_8 = arith.constant 640 : i32
    %mul3A_9 = arith.muli %arg1, %mul3A_8 : i32
    %add3A_10 = arith.constant 0 : i32
    %add3A_11 = arith.addi %mul3A_9, %add3A_10 : i32
    "tpu.region"() ({
      %run_scoped3A = tpu.sem_alloc : memref<!tpu.dma_semaphore, #tpu.memory_space<semaphore_mem>>
      %dma_start3A = arith.constant 0 : i32
      %dma_start3A_65 = tpu.memref_slice %arg11[%add3A_11, %dma_start3A] : memref<10240x128xf32, #tpu.memory_space<vmem_shared>> -> memref<80x128xf32, #tpu.memory_space<vmem_shared>>
      %dma_start3A_66 = arith.constant 0 : i32
      %dma_start3A_67 = tpu.memref_slice %arg11[%add3A_11, %dma_start3A_66] : memref<10240x128xf32, #tpu.memory_space<vmem_shared>> -> memref<80x128xf32, #tpu.memory_space<vmem_shared>>
      tpu.enqueue_dma source(%arg9 : memref<80x128xf32, #tpu.memory_space<vmem>>) target(%dma_start3A_67 : memref<80x128xf32, #tpu.memory_space<vmem_shared>>) target_semaphore(%run_scoped3A : memref<!tpu.dma_semaphore, #tpu.memory_space<semaphore_mem>>)
      %dma_wait3A = arith.constant 0 : i32
      %dma_wait3A_68 = tpu.memref_slice %arg11[%add3A_11, %dma_wait3A] : memref<10240x128xf32, #tpu.memory_space<vmem_shared>> -> memref<80x128xf32, #tpu.memory_space<vmem_shared>>
      %dma_wait3A_69 = arith.constant 0 : i32
      %dma_wait3A_70 = tpu.memref_slice %arg11[%add3A_11, %dma_wait3A_69] : memref<10240x128xf32, #tpu.memory_space<vmem_shared>> -> memref<80x128xf32, #tpu.memory_space<vmem_shared>>
      tpu.wait_dma2 semaphore(%run_scoped3A : memref<!tpu.dma_semaphore, #tpu.memory_space<semaphore_mem>>) src(%arg9 : memref<80x128xf32, #tpu.memory_space<vmem>>) dst(%dma_wait3A_70 : memref<80x128xf32, #tpu.memory_space<vmem_shared>>)
      tpu.yield
    }) : () -> ()
    %mul3A_12 = arith.constant 640 : i32
    %mul3A_13 = arith.muli %arg1, %mul3A_12 : i32
    %add3A_14 = arith.constant 80 : i32
    %add3A_15 = arith.addi %mul3A_13, %add3A_14 : i32
    "tpu.region"() ({
      %run_scoped3A = tpu.sem_alloc : memref<!tpu.dma_semaphore, #tpu.memory_space<semaphore_mem>>
      %dma_start3A = arith.constant 0 : i32
      %dma_start3A_65 = tpu.memref_slice %arg11[%add3A_15, %dma_start3A] : memref<10240x128xf32, #tpu.memory_space<vmem_shared>> -> memref<80x128xf32, #tpu.memory_space<vmem_shared>>
      %dma_start3A_66 = arith.constant 0 : i32
      %dma_start3A_67 = tpu.memref_slice %arg11[%add3A_15, %dma_start3A_66] : memref<10240x128xf32, #tpu.memory_space<vmem_shared>> -> memref<80x128xf32, #tpu.memory_space<vmem_shared>>
      tpu.enqueue_dma source(%arg9 : memref<80x128xf32, #tpu.memory_space<vmem>>) target(%dma_start3A_67 : memref<80x128xf32, #tpu.memory_space<vmem_shared>>) target_semaphore(%run_scoped3A : memref<!tpu.dma_semaphore, #tpu.memory_space<semaphore_mem>>)
      %dma_wait3A = arith.constant 0 : i32
      %dma_wait3A_68 = tpu.memref_slice %arg11[%add3A_15, %dma_wait3A] : memref<10240x128xf32, #tpu.memory_space<vmem_shared>> -> memref<80x128xf32, #tpu.memory_space<vmem_shared>>
      %dma_wait3A_69 = arith.constant 0 : i32
      %dma_wait3A_70 = tpu.memref_slice %arg11[%add3A_15, %dma_wait3A_69] : memref<10240x128xf32, #tpu.memory_space<vmem_shared>> -> memref<80x128xf32, #tpu.memory_space<vmem_shared>>
      tpu.wait_dma2 semaphore(%run_scoped3A : memref<!tpu.dma_semaphore, #tpu.memory_space<semaphore_mem>>) src(%arg9 : memref<80x128xf32, #tpu.memory_space<vmem>>) dst(%dma_wait3A_70 : memref<80x128xf32, #tpu.memory_space<vmem_shared>>)
      tpu.yield
    }) : () -> ()
    %mul3A_16 = arith.constant 640 : i32
    %mul3A_17 = arith.muli %arg1, %mul3A_16 : i32
    %add3A_18 = arith.constant 160 : i32
    %add3A_19 = arith.addi %mul3A_17, %add3A_18 : i32
    "tpu.region"() ({
      %run_scoped3A = tpu.sem_alloc : memref<!tpu.dma_semaphore, #tpu.memory_space<semaphore_mem>>
      %dma_start3A = arith.constant 0 : i32
      %dma_start3A_65 = tpu.memref_slice %arg11[%add3A_19, %dma_start3A] : memref<10240x128xf32, #tpu.memory_space<vmem_shared>> -> memref<80x128xf32, #tpu.memory_space<vmem_shared>>
      %dma_start3A_66 = arith.constant 0 : i32
      %dma_start3A_67 = tpu.memref_slice %arg11[%add3A_19, %dma_start3A_66] : memref<10240x128xf32, #tpu.memory_space<vmem_shared>> -> memref<80x128xf32, #tpu.memory_space<vmem_shared>>
      tpu.enqueue_dma source(%arg9 : memref<80x128xf32, #tpu.memory_space<vmem>>) target(%dma_start3A_67 : memref<80x128xf32, #tpu.memory_space<vmem_shared>>) target_semaphore(%run_scoped3A : memref<!tpu.dma_semaphore, #tpu.memory_space<semaphore_mem>>)
      %dma_wait3A = arith.constant 0 : i32
      %dma_wait3A_68 = tpu.memref_slice %arg11[%add3A_19, %dma_wait3A] : memref<10240x128xf32, #tpu.memory_space<vmem_shared>> -> memref<80x128xf32, #tpu.memory_space<vmem_shared>>
      %dma_wait3A_69 = arith.constant 0 : i32
      %dma_wait3A_70 = tpu.memref_slice %arg11[%add3A_19, %dma_wait3A_69] : memref<10240x128xf32, #tpu.memory_space<vmem_shared>> -> memref<80x128xf32, #tpu.memory_space<vmem_shared>>
      tpu.wait_dma2 semaphore(%run_scoped3A : memref<!tpu.dma_semaphore, #tpu.memory_space<semaphore_mem>>) src(%arg9 : memref<80x128xf32, #tpu.memory_space<vmem>>) dst(%dma_wait3A_70 : memref<80x128xf32, #tpu.memory_space<vmem_shared>>)
      tpu.yield
    }) : () -> ()
    %mul3A_20 = arith.constant 640 : i32
    %mul3A_21 = arith.muli %arg1, %mul3A_20 : i32
    %add3A_22 = arith.constant 240 : i32
    %add3A_23 = arith.addi %mul3A_21, %add3A_22 : i32
    "tpu.region"() ({
      %run_scoped3A = tpu.sem_alloc : memref<!tpu.dma_semaphore, #tpu.memory_space<semaphore_mem>>
      %dma_start3A = arith.constant 0 : i32
      %dma_start3A_65 = tpu.memref_slice %arg11[%add3A_23, %dma_start3A] : memref<10240x128xf32, #tpu.memory_space<vmem_shared>> -> memref<80x128xf32, #tpu.memory_space<vmem_shared>>
      %dma_start3A_66 = arith.constant 0 : i32
      %dma_start3A_67 = tpu.memref_slice %arg11[%add3A_23, %dma_start3A_66] : memref<10240x128xf32, #tpu.memory_space<vmem_shared>> -> memref<80x128xf32, #tpu.memory_space<vmem_shared>>
      tpu.enqueue_dma source(%arg9 : memref<80x128xf32, #tpu.memory_space<vmem>>) target(%dma_start3A_67 : memref<80x128xf32, #tpu.memory_space<vmem_shared>>) target_semaphore(%run_scoped3A : memref<!tpu.dma_semaphore, #tpu.memory_space<semaphore_mem>>)
      %dma_wait3A = arith.constant 0 : i32
      %dma_wait3A_68 = tpu.memref_slice %arg11[%add3A_23, %dma_wait3A] : memref<10240x128xf32, #tpu.memory_space<vmem_shared>> -> memref<80x128xf32, #tpu.memory_space<vmem_shared>>
      %dma_wait3A_69 = arith.constant 0 : i32
      %dma_wait3A_70 = tpu.memref_slice %arg11[%add3A_23, %dma_wait3A_69] : memref<10240x128xf32, #tpu.memory_space<vmem_shared>> -> memref<80x128xf32, #tpu.memory_space<vmem_shared>>
      tpu.wait_dma2 semaphore(%run_scoped3A : memref<!tpu.dma_semaphore, #tpu.memory_space<semaphore_mem>>) src(%arg9 : memref<80x128xf32, #tpu.memory_space<vmem>>) dst(%dma_wait3A_70 : memref<80x128xf32, #tpu.memory_space<vmem_shared>>)
      tpu.yield
    }) : () -> ()
    %mul3A_24 = arith.constant 640 : i32
    %mul3A_25 = arith.muli %arg1, %mul3A_24 : i32
    %add3A_26 = arith.constant 320 : i32
    %add3A_27 = arith.addi %mul3A_25, %add3A_26 : i32
    "tpu.region"() ({
      %run_scoped3A = tpu.sem_alloc : memref<!tpu.dma_semaphore, #tpu.memory_space<semaphore_mem>>
      %dma_start3A = arith.constant 0 : i32
      %dma_start3A_65 = tpu.memref_slice %arg11[%add3A_27, %dma_start3A] : memref<10240x128xf32, #tpu.memory_space<vmem_shared>> -> memref<80x128xf32, #tpu.memory_space<vmem_shared>>
      %dma_start3A_66 = arith.constant 0 : i32
      %dma_start3A_67 = tpu.memref_slice %arg11[%add3A_27, %dma_start3A_66] : memref<10240x128xf32, #tpu.memory_space<vmem_shared>> -> memref<80x128xf32, #tpu.memory_space<vmem_shared>>
      tpu.enqueue_dma source(%arg9 : memref<80x128xf32, #tpu.memory_space<vmem>>) target(%dma_start3A_67 : memref<80x128xf32, #tpu.memory_space<vmem_shared>>) target_semaphore(%run_scoped3A : memref<!tpu.dma_semaphore, #tpu.memory_space<semaphore_mem>>)
      %dma_wait3A = arith.constant 0 : i32
      %dma_wait3A_68 = tpu.memref_slice %arg11[%add3A_27, %dma_wait3A] : memref<10240x128xf32, #tpu.memory_space<vmem_shared>> -> memref<80x128xf32, #tpu.memory_space<vmem_shared>>
      %dma_wait3A_69 = arith.constant 0 : i32
      %dma_wait3A_70 = tpu.memref_slice %arg11[%add3A_27, %dma_wait3A_69] : memref<10240x128xf32, #tpu.memory_space<vmem_shared>> -> memref<80x128xf32, #tpu.memory_space<vmem_shared>>
      tpu.wait_dma2 semaphore(%run_scoped3A : memref<!tpu.dma_semaphore, #tpu.memory_space<semaphore_mem>>) src(%arg9 : memref<80x128xf32, #tpu.memory_space<vmem>>) dst(%dma_wait3A_70 : memref<80x128xf32, #tpu.memory_space<vmem_shared>>)
      tpu.yield
    }) : () -> ()
    %mul3A_28 = arith.constant 640 : i32
    %mul3A_29 = arith.muli %arg1, %mul3A_28 : i32
    %add3A_30 = arith.constant 400 : i32
    %add3A_31 = arith.addi %mul3A_29, %add3A_30 : i32
    "tpu.region"() ({
      %run_scoped3A = tpu.sem_alloc : memref<!tpu.dma_semaphore, #tpu.memory_space<semaphore_mem>>
      %dma_start3A = arith.constant 0 : i32
      %dma_start3A_65 = tpu.memref_slice %arg11[%add3A_31, %dma_start3A] : memref<10240x128xf32, #tpu.memory_space<vmem_shared>> -> memref<80x128xf32, #tpu.memory_space<vmem_shared>>
      %dma_start3A_66 = arith.constant 0 : i32
      %dma_start3A_67 = tpu.memref_slice %arg11[%add3A_31, %dma_start3A_66] : memref<10240x128xf32, #tpu.memory_space<vmem_shared>> -> memref<80x128xf32, #tpu.memory_space<vmem_shared>>
      tpu.enqueue_dma source(%arg9 : memref<80x128xf32, #tpu.memory_space<vmem>>) target(%dma_start3A_67 : memref<80x128xf32, #tpu.memory_space<vmem_shared>>) target_semaphore(%run_scoped3A : memref<!tpu.dma_semaphore, #tpu.memory_space<semaphore_mem>>)
      %dma_wait3A = arith.constant 0 : i32
      %dma_wait3A_68 = tpu.memref_slice %arg11[%add3A_31, %dma_wait3A] : memref<10240x128xf32, #tpu.memory_space<vmem_shared>> -> memref<80x128xf32, #tpu.memory_space<vmem_shared>>
      %dma_wait3A_69 = arith.constant 0 : i32
      %dma_wait3A_70 = tpu.memref_slice %arg11[%add3A_31, %dma_wait3A_69] : memref<10240x128xf32, #tpu.memory_space<vmem_shared>> -> memref<80x128xf32, #tpu.memory_space<vmem_shared>>
      tpu.wait_dma2 semaphore(%run_scoped3A : memref<!tpu.dma_semaphore, #tpu.memory_space<semaphore_mem>>) src(%arg9 : memref<80x128xf32, #tpu.memory_space<vmem>>) dst(%dma_wait3A_70 : memref<80x128xf32, #tpu.memory_space<vmem_shared>>)
      tpu.yield
    }) : () -> ()
    %mul3A_32 = arith.constant 640 : i32
    %mul3A_33 = arith.muli %arg1, %mul3A_32 : i32
    %add3A_34 = arith.constant 480 : i32
    %add3A_35 = arith.addi %mul3A_33, %add3A_34 : i32
    "tpu.region"() ({
      %run_scoped3A = tpu.sem_alloc : memref<!tpu.dma_semaphore, #tpu.memory_space<semaphore_mem>>
      %dma_start3A = arith.constant 0 : i32
      %dma_start3A_65 = tpu.memref_slice %arg11[%add3A_35, %dma_start3A] : memref<10240x128xf32, #tpu.memory_space<vmem_shared>> -> memref<80x128xf32, #tpu.memory_space<vmem_shared>>
      %dma_start3A_66 = arith.constant 0 : i32
      %dma_start3A_67 = tpu.memref_slice %arg11[%add3A_35, %dma_start3A_66] : memref<10240x128xf32, #tpu.memory_space<vmem_shared>> -> memref<80x128xf32, #tpu.memory_space<vmem_shared>>
      tpu.enqueue_dma source(%arg9 : memref<80x128xf32, #tpu.memory_space<vmem>>) target(%dma_start3A_67 : memref<80x128xf32, #tpu.memory_space<vmem_shared>>) target_semaphore(%run_scoped3A : memref<!tpu.dma_semaphore, #tpu.memory_space<semaphore_mem>>)
      %dma_wait3A = arith.constant 0 : i32
      %dma_wait3A_68 = tpu.memref_slice %arg11[%add3A_35, %dma_wait3A] : memref<10240x128xf32, #tpu.memory_space<vmem_shared>> -> memref<80x128xf32, #tpu.memory_space<vmem_shared>>
      %dma_wait3A_69 = arith.constant 0 : i32
      %dma_wait3A_70 = tpu.memref_slice %arg11[%add3A_35, %dma_wait3A_69] : memref<10240x128xf32, #tpu.memory_space<vmem_shared>> -> memref<80x128xf32, #tpu.memory_space<vmem_shared>>
      tpu.wait_dma2 semaphore(%run_scoped3A : memref<!tpu.dma_semaphore, #tpu.memory_space<semaphore_mem>>) src(%arg9 : memref<80x128xf32, #tpu.memory_space<vmem>>) dst(%dma_wait3A_70 : memref<80x128xf32, #tpu.memory_space<vmem_shared>>)
      tpu.yield
    }) : () -> ()
    %mul3A_36 = arith.constant 640 : i32
    %mul3A_37 = arith.muli %arg1, %mul3A_36 : i32
    %add3A_38 = arith.constant 560 : i32
    %add3A_39 = arith.addi %mul3A_37, %add3A_38 : i32
    "tpu.region"() ({
      %run_scoped3A = tpu.sem_alloc : memref<!tpu.dma_semaphore, #tpu.memory_space<semaphore_mem>>
      %dma_start3A = arith.constant 0 : i32
      %dma_start3A_65 = tpu.memref_slice %arg11[%add3A_39, %dma_start3A] : memref<10240x128xf32, #tpu.memory_space<vmem_shared>> -> memref<80x128xf32, #tpu.memory_space<vmem_shared>>
      %dma_start3A_66 = arith.constant 0 : i32
      %dma_start3A_67 = tpu.memref_slice %arg11[%add3A_39, %dma_start3A_66] : memref<10240x128xf32, #tpu.memory_space<vmem_shared>> -> memref<80x128xf32, #tpu.memory_space<vmem_shared>>
      tpu.enqueue_dma source(%arg9 : memref<80x128xf32, #tpu.memory_space<vmem>>) target(%dma_start3A_67 : memref<80x128xf32, #tpu.memory_space<vmem_shared>>) target_semaphore(%run_scoped3A : memref<!tpu.dma_semaphore, #tpu.memory_space<semaphore_mem>>)
      %dma_wait3A = arith.constant 0 : i32
      %dma_wait3A_68 = tpu.memref_slice %arg11[%add3A_39, %dma_wait3A] : memref<10240x128xf32, #tpu.memory_space<vmem_shared>> -> memref<80x128xf32, #tpu.memory_space<vmem_shared>>
      %dma_wait3A_69 = arith.constant 0 : i32
      %dma_wait3A_70 = tpu.memref_slice %arg11[%add3A_39, %dma_wait3A_69] : memref<10240x128xf32, #tpu.memory_space<vmem_shared>> -> memref<80x128xf32, #tpu.memory_space<vmem_shared>>
      tpu.wait_dma2 semaphore(%run_scoped3A : memref<!tpu.dma_semaphore, #tpu.memory_space<semaphore_mem>>) src(%arg9 : memref<80x128xf32, #tpu.memory_space<vmem>>) dst(%dma_wait3A_70 : memref<80x128xf32, #tpu.memory_space<vmem_shared>>)
      tpu.yield
    }) : () -> ()
    %broadcast_in_dim3A_40 = arith.constant 0.000000e+00 : f32
    %broadcast_in_dim3A_41 = vector.broadcast %broadcast_in_dim3A_40 : f32 to vector<16xf32>
    %scan3A_42 = arith.constant 0 : i32
    %scan3A_43 = arith.constant 0 : i32
    %scan3A_44 = arith.constant 640 : i32
    %scan3A_45 = arith.addi %scan3A_43, %scan3A_44 : i32
    %scan3A_46 = arith.constant 1 : i32
    %scan3A_47 = scf.for %scan3A_65 = %scan3A_43 to %scan3A_45 step %scan3A_46 iter_args(%scan3A_66 = %scan3A_42) -> (i32)  : i32 {
      %mul3A_67 = arith.constant 16 : i32
      %mul3A_68 = arith.muli %scan3A_65, %mul3A_67 : i32
      %swap3A = arith.index_cast %mul3A_68 : i32 to index
      %swap3A_69 = tpu.vector_load %arg10[%swap3A] {strides = array<i32>} : memref<10240xf32, #tpu.memory_space<vmem>>, vector<16xf32>,
      tpu.vector_store %arg10[%swap3A], %broadcast_in_dim3A_41 {strides = array<i32>} : memref<10240xf32, #tpu.memory_space<vmem>>, vector<16xf32>,
      %scan3A_70 = arith.constant 0 : i32
      scf.yield %scan3A_70 : i32
    }
    %scan3A_48 = arith.constant 640 : i32
    %barrier3A = arith.constant 0 : index
    tpu.barrier barrier_id(%barrier3A)
    %broadcast_in_dim3A_49 = arith.constant 1.000000e+00 : f32
    %broadcast_in_dim3A_50 = vector.broadcast %broadcast_in_dim3A_49 : f32 to vector<16xf32>
    %mul3A_51 = arith.constant 10000 : i32
    %mul3A_52 = arith.muli %add3A, %mul3A_51 : i32
    %scan3A_53 = arith.constant 0 : i32
    %scan3A_54 = arith.constant 0 : i32
    %scan3A_55 = arith.constant 125 : i32
    %scan3A_56 = arith.addi %scan3A_54, %scan3A_55 : i32
    %scan3A_57 = arith.constant 1 : i32
    %scan3A_58 = scf.for %scan3A_65 = %scan3A_54 to %scan3A_56 step %scan3A_57 iter_args(%scan3A_66 = %scan3A_53) -> (i32)  : i32 {
      %mul3A_67 = arith.constant 80 : i32
      %mul3A_68 = arith.muli %scan3A_65, %mul3A_67 : i32
      %add3A_69 = arith.addi %mul3A_52, %mul3A_68 : i32
      "tpu.region"() ({
        %run_scoped3A = tpu.sem_alloc : memref<!tpu.dma_semaphore, #tpu.memory_space<semaphore_mem>>
        %dma_start3A_84 = tpu.memref_slice %arg3[%add3A_69] : memref<320000xi32, #tpu.memory_space<hbm>> -> memref<80xi32, #tpu.memory_space<hbm>>
        %dma_start3A_85 = tpu.memref_slice %arg3[%add3A_69] : memref<320000xi32, #tpu.memory_space<hbm>> -> memref<80xi32, #tpu.memory_space<hbm>>
        tpu.enqueue_dma source(%dma_start3A_85 : memref<80xi32, #tpu.memory_space<hbm>>) target(%arg7 : memref<80xi32, #tpu.memory_space<vmem>>) target_semaphore(%run_scoped3A : memref<!tpu.dma_semaphore, #tpu.memory_space<semaphore_mem>>)
        %dma_wait3A_86 = tpu.memref_slice %arg3[%add3A_69] : memref<320000xi32, #tpu.memory_space<hbm>> -> memref<80xi32, #tpu.memory_space<hbm>>
        %dma_wait3A_87 = tpu.memref_slice %arg3[%add3A_69] : memref<320000xi32, #tpu.memory_space<hbm>> -> memref<80xi32, #tpu.memory_space<hbm>>
        tpu.wait_dma2 semaphore(%run_scoped3A : memref<!tpu.dma_semaphore, #tpu.memory_space<semaphore_mem>>) src(%dma_wait3A_87 : memref<80xi32, #tpu.memory_space<hbm>>) dst(%arg7 : memref<80xi32, #tpu.memory_space<vmem>>)
        tpu.yield
      }) : () -> ()
      "tpu.region"() ({
        %run_scoped3A = tpu.sem_alloc : memref<!tpu.dma_semaphore, #tpu.memory_space<semaphore_mem>>
        %dma_start3A_84 = tpu.memref_slice %arg4[%add3A_69] : memref<320000xi32, #tpu.memory_space<hbm>> -> memref<80xi32, #tpu.memory_space<hbm>>
        %dma_start3A_85 = tpu.memref_slice %arg4[%add3A_69] : memref<320000xi32, #tpu.memory_space<hbm>> -> memref<80xi32, #tpu.memory_space<hbm>>
        tpu.enqueue_dma source(%dma_start3A_85 : memref<80xi32, #tpu.memory_space<hbm>>) target(%arg8 : memref<80xi32, #tpu.memory_space<vmem>>) target_semaphore(%run_scoped3A : memref<!tpu.dma_semaphore, #tpu.memory_space<semaphore_mem>>)
        %dma_wait3A_86 = tpu.memref_slice %arg4[%add3A_69] : memref<320000xi32, #tpu.memory_space<hbm>> -> memref<80xi32, #tpu.memory_space<hbm>>
        %dma_wait3A_87 = tpu.memref_slice %arg4[%add3A_69] : memref<320000xi32, #tpu.memory_space<hbm>> -> memref<80xi32, #tpu.memory_space<hbm>>
        tpu.wait_dma2 semaphore(%run_scoped3A : memref<!tpu.dma_semaphore, #tpu.memory_space<semaphore_mem>>) src(%dma_wait3A_87 : memref<80xi32, #tpu.memory_space<hbm>>) dst(%arg8 : memref<80xi32, #tpu.memory_space<vmem>>)
        tpu.yield
      }) : () -> ()
      %dma_start3A = arith.constant 0 : i32
      %dma_start3A_70 = arith.constant 0 : i32
      %dma_start3A_71 = tpu.memref_slice %arg2[%dma_start3A, %dma_start3A_70] : memref<10240x128xf32, #tpu.memory_space<hbm>> -> memref<10240x128xf32, #tpu.memory_space<hbm>>
      tpu.enqueue_indirect_dma source(%dma_start3A_71 : memref<10240x128xf32, #tpu.memory_space<hbm>>) target(%arg9 : memref<80x128xf32, #tpu.memory_space<vmem>>) offsets(%arg7 : memref<80xi32, #tpu.memory_space<vmem>>) semaphore(%arg12 : memref<!tpu.dma_semaphore, #tpu.memory_space<semaphore_mem>>)
      %dma_wait3A = arith.constant 0 : i32
      %dma_wait3A_72 = arith.constant 0 : i32
      %dma_wait3A_73 = tpu.memref_slice %arg2[%dma_wait3A, %dma_wait3A_72] : memref<10240x128xf32, #tpu.memory_space<hbm>> -> memref<10240x128xf32, #tpu.memory_space<hbm>>
      tpu.wait_indirect_dma semaphore(%arg12 : memref<!tpu.dma_semaphore, #tpu.memory_space<semaphore_mem>>) src(%dma_wait3A_73 : memref<10240x128xf32, #tpu.memory_space<hbm>>) dst(%arg9 : memref<80x128xf32, #tpu.memory_space<vmem>>)
      "tpu.region"() ({
        %run_scoped3A = tpu.sem_alloc : memref<!tpu.dma_semaphore, #tpu.memory_space<semaphore_mem>>
        %dma_start3A_84 = arith.constant 0 : i32
        %dma_start3A_85 = arith.constant 0 : i32
        %dma_start3A_86 = tpu.memref_slice %arg11[%dma_start3A_84, %dma_start3A_85] : memref<10240x128xf32, #tpu.memory_space<vmem_shared>> -> memref<10240x128xf32, #tpu.memory_space<vmem_shared>>
        tpu.enqueue_indirect_dma source(%arg9 : memref<80x128xf32, #tpu.memory_space<vmem>>) target(%dma_start3A_86 : memref<10240x128xf32, #tpu.memory_space<vmem_shared>>) offsets(%arg8 : memref<80xi32, #tpu.memory_space<vmem>>) semaphore(%run_scoped3A : memref<!tpu.dma_semaphore, #tpu.memory_space<semaphore_mem>>) {add = true}
        %dma_wait3A_87 = arith.constant 0 : i32
        %dma_wait3A_88 = arith.constant 0 : i32
        %dma_wait3A_89 = tpu.memref_slice %arg11[%dma_wait3A_87, %dma_wait3A_88] : memref<10240x128xf32, #tpu.memory_space<vmem_shared>> -> memref<10240x128xf32, #tpu.memory_space<vmem_shared>>
        tpu.wait_indirect_dma semaphore(%run_scoped3A : memref<!tpu.dma_semaphore, #tpu.memory_space<semaphore_mem>>) src(%arg9 : memref<80x128xf32, #tpu.memory_space<vmem>>) dst(%dma_wait3A_89 : memref<10240x128xf32, #tpu.memory_space<vmem_shared>>)
        tpu.yield
      }) : () -> ()
      %get3A = arith.constant 0 : index
      %get3A_74 = tpu.vector_load %arg8[%get3A] {strides = array<i32>} : memref<80xi32, #tpu.memory_space<vmem>>, vector<16xi32>,
      tpu.vector_store_idx %arg10[%get3A_74], %broadcast_in_dim3A_50 {add = true} : memref<10240xf32, #tpu.memory_space<vmem>>[vector<16xi32>], vector<16xf32>,
      %get3A_75 = arith.constant 16 : index
      %get3A_76 = tpu.vector_load %arg8[%get3A_75] {strides = array<i32>} : memref<80xi32, #tpu.memory_space<vmem>>, vector<16xi32>,
      tpu.vector_store_idx %arg10[%get3A_76], %broadcast_in_dim3A_50 {add = true} : memref<10240xf32, #tpu.memory_space<vmem>>[vector<16xi32>], vector<16xf32>,
      %get3A_77 = arith.constant 32 : index
      %get3A_78 = tpu.vector_load %arg8[%get3A_77] {strides = array<i32>} : memref<80xi32, #tpu.memory_space<vmem>>, vector<16xi32>,
      tpu.vector_store_idx %arg10[%get3A_78], %broadcast_in_dim3A_50 {add = true} : memref<10240xf32, #tpu.memory_space<vmem>>[vector<16xi32>], vector<16xf32>,
      %get3A_79 = arith.constant 48 : index
      %get3A_80 = tpu.vector_load %arg8[%get3A_79] {strides = array<i32>} : memref<80xi32, #tpu.memory_space<vmem>>, vector<16xi32>,
      tpu.vector_store_idx %arg10[%get3A_80], %broadcast_in_dim3A_50 {add = true} : memref<10240xf32, #tpu.memory_space<vmem>>[vector<16xi32>], vector<16xf32>,
      %get3A_81 = arith.constant 64 : index
      %get3A_82 = tpu.vector_load %arg8[%get3A_81] {strides = array<i32>} : memref<80xi32, #tpu.memory_space<vmem>>, vector<16xi32>,
      tpu.vector_store_idx %arg10[%get3A_82], %broadcast_in_dim3A_50 {add = true} : memref<10240xf32, #tpu.memory_space<vmem>>[vector<16xi32>], vector<16xf32>,
      %scan3A_83 = arith.constant 0 : i32
      scf.yield %scan3A_83 : i32
    }
    %scan3A_59 = arith.constant 125 : i32
    %barrier3A_60 = arith.constant 0 : index
    tpu.barrier barrier_id(%barrier3A_60)
    %mul3A_61 = arith.constant 640 : i32
    %mul3A_62 = arith.muli %arg1, %mul3A_61 : i32
    %mul3A_63 = arith.constant 640 : i32
    %mul3A_64 = arith.muli %arg1, %mul3A_63 : i32
    "tpu.region"() ({
      %run_scoped3A = tpu.sem_alloc : memref<!tpu.dma_semaphore, #tpu.memory_space<semaphore_mem>>
      %dma_start3A = arith.constant 0 : i32
      %dma_start3A_65 = tpu.memref_slice %arg5[%arg0, %mul3A_64, %dma_start3A] : memref<2x10240x128xf32, #tpu.memory_space<hbm>> -> memref<1x640x128xf32, #tpu.memory_space<hbm>>
      %dma_start3A_66 = tpu.memref_squeeze %dma_start3A_65 : memref<1x640x128xf32, #tpu.memory_space<hbm>> -> memref<640x128xf32, #tpu.memory_space<hbm>>
      %dma_start3A_67 = arith.constant 0 : i32
      %dma_start3A_68 = tpu.memref_slice %arg11[%mul3A_62, %dma_start3A_67] : memref<10240x128xf32, #tpu.memory_space<vmem_shared>> -> memref<640x128xf32, #tpu.memory_space<vmem_shared>>
      tpu.enqueue_dma source(%dma_start3A_68 : memref<640x128xf32, #tpu.memory_space<vmem_shared>>) target(%dma_start3A_66 : memref<640x128xf32, #tpu.memory_space<hbm>>) target_semaphore(%run_scoped3A : memref<!tpu.dma_semaphore, #tpu.memory_space<semaphore_mem>>)
      %dma_wait3A = arith.constant 0 : i32
      %dma_wait3A_69 = tpu.memref_slice %arg5[%arg0, %mul3A_64, %dma_wait3A] : memref<2x10240x128xf32, #tpu.memory_space<hbm>> -> memref<1x640x128xf32, #tpu.memory_space<hbm>>
      %dma_wait3A_70 = tpu.memref_squeeze %dma_wait3A_69 : memref<1x640x128xf32, #tpu.memory_space<hbm>> -> memref<640x128xf32, #tpu.memory_space<hbm>>
      %dma_wait3A_71 = arith.constant 0 : i32
      %dma_wait3A_72 = tpu.memref_slice %arg11[%mul3A_62, %dma_wait3A_71] : memref<10240x128xf32, #tpu.memory_space<vmem_shared>> -> memref<640x128xf32, #tpu.memory_space<vmem_shared>>
      tpu.wait_dma2 semaphore(%run_scoped3A : memref<!tpu.dma_semaphore, #tpu.memory_space<semaphore_mem>>) src(%dma_wait3A_72 : memref<640x128xf32, #tpu.memory_space<vmem_shared>>) dst(%dma_wait3A_70 : memref<640x128xf32, #tpu.memory_space<hbm>>)
      tpu.yield
    }) : () -> ()
    "tpu.region"() ({
      %run_scoped3A = tpu.sem_alloc : memref<!tpu.dma_semaphore, #tpu.memory_space<semaphore_mem>>
      %dma_start3A = arith.constant 0 : i32
      %dma_start3A_65 = tpu.memref_slice %arg6[%add3A, %dma_start3A] : memref<32x10240xf32, #tpu.memory_space<hbm>> -> memref<1x10240xf32, #tpu.memory_space<hbm>>
      %dma_start3A_66 = tpu.memref_squeeze %dma_start3A_65 : memref<1x10240xf32, #tpu.memory_space<hbm>> -> memref<10240xf32, #tpu.memory_space<hbm>>
      %dma_start3A_67 = arith.constant 0 : i32
      %dma_start3A_68 = tpu.memref_slice %arg6[%add3A, %dma_start3A_67] : memref<32x10240xf32, #tpu.memory_space<hbm>> -> memref<1x10240xf32, #tpu.memory_space<hbm>>
      %dma_start3A_69 = tpu.memref_squeeze %dma_start3A_68 : memref<1x10240xf32, #tpu.memory_space<hbm>> -> memref<10240xf32, #tpu.memory_space<hbm>>
      tpu.enqueue_dma source(%arg10 : memref<10240xf32, #tpu.memory_space<vmem>>) target(%dma_start3A_69 : memref<10240xf32, #tpu.memory_space<hbm>>) target_semaphore(%run_scoped3A : memref<!tpu.dma_semaphore, #tpu.memory_space<semaphore_mem>>)
      %dma_wait3A = arith.constant 0 : i32
      %dma_wait3A_70 = tpu.memref_slice %arg6[%add3A, %dma_wait3A] : memref<32x10240xf32, #tpu.memory_space<hbm>> -> memref<1x10240xf32, #tpu.memory_space<hbm>>
      %dma_wait3A_71 = tpu.memref_squeeze %dma_wait3A_70 : memref<1x10240xf32, #tpu.memory_space<hbm>> -> memref<10240xf32, #tpu.memory_space<hbm>>
      %dma_wait3A_72 = arith.constant 0 : i32
      %dma_wait3A_73 = tpu.memref_slice %arg6[%add3A, %dma_wait3A_72] : memref<32x10240xf32, #tpu.memory_space<hbm>> -> memref<1x10240xf32, #tpu.memory_space<hbm>>
      %dma_wait3A_74 = tpu.memref_squeeze %dma_wait3A_73 : memref<1x10240xf32, #tpu.memory_space<hbm>> -> memref<10240xf32, #tpu.memory_space<hbm>>
      tpu.wait_dma2 semaphore(%run_scoped3A : memref<!tpu.dma_semaphore, #tpu.memory_space<semaphore_mem>>) src(%arg10 : memref<10240xf32, #tpu.memory_space<vmem>>) dst(%dma_wait3A_74 : memref<10240xf32, #tpu.memory_space<hbm>>)
      tpu.yield
    }) : () -> ()
    return
  }
}

module attributes {stable_mosaic.version = 14 : i64} {
  func.func @_tc_layer_body(%arg0: i32, %arg1: memref<2x1024x128xf32, #tpu.memory_space<vmem>>, %arg2: memref<32x1024xf32, #tpu.memory_space<vmem>>, %arg3: memref<1024x128xf32, #tpu.memory_space<vmem>>, %arg4: memref<128x128xf32, #tpu.memory_space<vmem>>, %arg5: memref<128x128xf32, #tpu.memory_space<vmem>>, %arg6: memref<1x128xf32, #tpu.memory_space<vmem>>, %arg7: memref<1024x128xf32, #tpu.memory_space<vmem>>) attributes {dimension_semantics = [#tpu.dimension_semantics<arbitrary>], iteration_bounds = array<i64: 10>, scalar_prefetch = 0 : i64, scratch_operands = 0 : i64, tpu.core_type = #tpu.core_type<tc>, window_params = [{transform_indices = @transform_0, window_bounds = array<i64: 2, 1024, 128>}, {transform_indices = @transform_1, window_bounds = array<i64: 32, 1024>}, {transform_indices = @transform_2, window_bounds = array<i64: 1024, 128>}, {pipeline_mode = #tpu.pipeline_mode<synchronous>, transform_indices = @transform_3, window_bounds = array<i64: 128, 128>}, {pipeline_mode = #tpu.pipeline_mode<synchronous>, transform_indices = @transform_4, window_bounds = array<i64: 128, 128>}, {pipeline_mode = #tpu.pipeline_mode<synchronous>, transform_indices = @transform_5, window_bounds = array<i64: 1, 128>}, {transform_indices = @transform_6, window_bounds = array<i64: 1024, 128>}]} {
    %get3A = arith.constant 0 : index
    %get3A_0 = arith.constant 0 : index
    %get3A_1 = vector.load %arg2[%get3A, %get3A_0] : memref<32x1024xf32, #tpu.memory_space<vmem>>, vector<32x1024xf32>
    %reduce_sum3A = arith.constant dense<0.000000e+00> : vector<1024xf32>
    %reduce_sum3A_2 = vector.multi_reduction <add>, %get3A_1, %reduce_sum3A [0] : vector<32x1024xf32> to vector<1024xf32>
    %max3A = arith.constant 1.000000e+00 : f32
    %max3A_3 = vector.broadcast %max3A : f32 to vector<1024xf32>
    %max3A_4 = arith.maximumf %reduce_sum3A_2, %max3A_3 : vector<1024xf32>
    %div3A = arith.constant 1.000000e+00 : f32
    %div3A_5 = vector.broadcast %div3A : f32 to vector<1024xf32>
    %div3A_6 = arith.divf %div3A_5, %max3A_4 : vector<1024xf32>
    %get3A_7 = arith.constant 0 : index
    %get3A_8 = arith.constant 0 : index
    %get3A_9 = arith.constant 0 : index
    %get3A_10 = vector.load %arg1[%get3A_7, %get3A_8, %get3A_9] : memref<2x1024x128xf32, #tpu.memory_space<vmem>>, vector<1x1024x128xf32>
    %get3A_11 = vector.shape_cast %get3A_10 : vector<1x1024x128xf32> to vector<1024x128xf32>
    %get3A_12 = arith.constant 1 : index
    %get3A_13 = arith.constant 0 : index
    %get3A_14 = arith.constant 0 : index
    %get3A_15 = vector.load %arg1[%get3A_12, %get3A_13, %get3A_14] : memref<2x1024x128xf32, #tpu.memory_space<vmem>>, vector<1x1024x128xf32>
    %get3A_16 = vector.shape_cast %get3A_15 : vector<1x1024x128xf32> to vector<1024x128xf32>
    %add3A = arith.addf %get3A_11, %get3A_16 : vector<1024x128xf32>
    %broadcast_in_dim3A = vector.shape_cast %div3A_6 : vector<1024xf32> to vector<1024x1xf32>
    %mul3A = vector.broadcast %broadcast_in_dim3A : vector<1024x1xf32> to vector<1024x128xf32>
    %mul3A_17 = arith.mulf %add3A, %mul3A : vector<1024x128xf32>
    %get3A_18 = arith.constant 0 : index
    %get3A_19 = arith.constant 0 : index
    %get3A_20 = vector.load %arg4[%get3A_18, %get3A_19] : memref<128x128xf32, #tpu.memory_space<vmem>>, vector<128x128xf32>
    %dot_general3A = arith.constant dense<0.000000e+00> : vector<1024x128xf32>
    %dot_general3A_21 = tpu.matmul %mul3A_17, %get3A_20, %dot_general3A {dimension_numbers = #tpu.dot_dimension_numbers<[1], [0], [0], [1], [0, 0, 1, 1], [], []>, transpose_lhs_hint = false} : vector<1024x128xf32>, vector<128x128xf32>, vector<1024x128xf32> -> vector<1024x128xf32>
    %get3A_22 = arith.constant 0 : index
    %get3A_23 = arith.constant 0 : index
    %get3A_24 = vector.load %arg3[%get3A_22, %get3A_23] : memref<1024x128xf32, #tpu.memory_space<vmem>>, vector<1024x128xf32>
    %get3A_25 = arith.constant 0 : index
    %get3A_26 = arith.constant 0 : index
    %get3A_27 = vector.load %arg5[%get3A_25, %get3A_26] : memref<128x128xf32, #tpu.memory_space<vmem>>, vector<128x128xf32>
    %dot_general3A_28 = arith.constant dense<0.000000e+00> : vector<1024x128xf32>
    %dot_general3A_29 = tpu.matmul %get3A_24, %get3A_27, %dot_general3A_28 {dimension_numbers = #tpu.dot_dimension_numbers<[1], [0], [0], [1], [0, 0, 1, 1], [], []>, transpose_lhs_hint = false} : vector<1024x128xf32>, vector<128x128xf32>, vector<1024x128xf32> -> vector<1024x128xf32>
    %add3A_30 = arith.addf %dot_general3A_21, %dot_general3A_29 : vector<1024x128xf32>
    %get3A_31 = arith.constant 0 : index
    %get3A_32 = arith.constant 0 : index
    %get3A_33 = vector.load %arg6[%get3A_31, %get3A_32] : memref<1x128xf32, #tpu.memory_space<vmem>>, vector<1x128xf32>
    %add3A_34 = vector.broadcast %get3A_33 : vector<1x128xf32> to vector<1024x128xf32>
    %add3A_35 = arith.addf %add3A_30, %add3A_34 : vector<1024x128xf32>
    %max3A_36 = arith.constant 0.000000e+00 : f32
    %max3A_37 = vector.broadcast %max3A_36 : f32 to vector<1024x128xf32>
    %max3A_38 = arith.maximumf %add3A_35, %max3A_37 : vector<1024x128xf32>
    %swap3A = arith.constant 0 : index
    %swap3A_39 = arith.constant 0 : index
    %swap3A_40 = vector.load %arg7[%swap3A, %swap3A_39] : memref<1024x128xf32, #tpu.memory_space<vmem>>, vector<1024x128xf32>
    tpu.vector_store %arg7[%swap3A, %swap3A_39], %max3A_38 {strides = array<i32>} : memref<1024x128xf32, #tpu.memory_space<vmem>>, vector<1024x128xf32>,
    return
  }
  func.func @transform_0(%arg0: i32) -> (i32, i32, i32) {
    %c0_i32 = arith.constant 0 : i32
    %c0_i32_0 = arith.constant 0 : i32
    %c0_i32_1 = arith.constant 0 : i32
    return %c0_i32, %arg0, %c0_i32_0 : i32, i32, i32
  }
  func.func @transform_1(%arg0: i32) -> (i32, i32) {
    %c0_i32 = arith.constant 0 : i32
    %c0_i32_0 = arith.constant 0 : i32
    return %c0_i32, %arg0 : i32, i32
  }
  func.func @transform_2(%arg0: i32) -> (i32, i32) {
    %c0_i32 = arith.constant 0 : i32
    %c0_i32_0 = arith.constant 0 : i32
    return %arg0, %c0_i32 : i32, i32
  }
  func.func @transform_3(%arg0: i32) -> (i32, i32) {
    %c0_i32 = arith.constant 0 : i32
    %c0_i32_0 = arith.constant 0 : i32
    %c0_i32_1 = arith.constant 0 : i32
    return %c0_i32, %c0_i32_0 : i32, i32
  }
  func.func @transform_4(%arg0: i32) -> (i32, i32) {
    %c0_i32 = arith.constant 0 : i32
    %c0_i32_0 = arith.constant 0 : i32
    %c0_i32_1 = arith.constant 0 : i32
    return %c0_i32, %c0_i32_0 : i32, i32
  }
  func.func @transform_5(%arg0: i32) -> (i32, i32) {
    %c0_i32 = arith.constant 0 : i32
    %c0_i32_0 = arith.constant 0 : i32
    %c0_i32_1 = arith.constant 0 : i32
    return %c0_i32, %c0_i32_0 : i32, i32
  }
  func.func @transform_6(%arg0: i32) -> (i32, i32) {
    %c0_i32 = arith.constant 0 : i32
    %c0_i32_0 = arith.constant 0 : i32
    return %arg0, %c0_i32 : i32, i32
  }
}

module attributes {stable_mosaic.version = 14 : i64} {
  func.func @_tc_layer_body(%arg0: i32, %arg1: memref<2x1024x128xf32, #tpu.memory_space<vmem>>, %arg2: memref<32x1024xf32, #tpu.memory_space<vmem>>, %arg3: memref<1024x128xf32, #tpu.memory_space<vmem>>, %arg4: memref<128x128xf32, #tpu.memory_space<vmem>>, %arg5: memref<128x128xf32, #tpu.memory_space<vmem>>, %arg6: memref<1x128xf32, #tpu.memory_space<vmem>>, %arg7: memref<1024x128xf32, #tpu.memory_space<vmem>>) attributes {dimension_semantics = [#tpu.dimension_semantics<arbitrary>], iteration_bounds = array<i64: 10>, scalar_prefetch = 0 : i64, scratch_operands = 0 : i64, tpu.core_type = #tpu.core_type<tc>, window_params = [{transform_indices = @transform_0, window_bounds = array<i64: 2, 1024, 128>}, {transform_indices = @transform_1, window_bounds = array<i64: 32, 1024>}, {transform_indices = @transform_2, window_bounds = array<i64: 1024, 128>}, {pipeline_mode = #tpu.pipeline_mode<synchronous>, transform_indices = @transform_3, window_bounds = array<i64: 128, 128>}, {pipeline_mode = #tpu.pipeline_mode<synchronous>, transform_indices = @transform_4, window_bounds = array<i64: 128, 128>}, {pipeline_mode = #tpu.pipeline_mode<synchronous>, transform_indices = @transform_5, window_bounds = array<i64: 1, 128>}, {transform_indices = @transform_6, window_bounds = array<i64: 1024, 128>}]} {
    %get3A = arith.constant 0 : index
    %get3A_0 = arith.constant 0 : index
    %get3A_1 = vector.load %arg2[%get3A, %get3A_0] : memref<32x1024xf32, #tpu.memory_space<vmem>>, vector<32x1024xf32>
    %reduce_sum3A = arith.constant dense<0.000000e+00> : vector<1024xf32>
    %reduce_sum3A_2 = vector.multi_reduction <add>, %get3A_1, %reduce_sum3A [0] : vector<32x1024xf32> to vector<1024xf32>
    %max3A = arith.constant 1.000000e+00 : f32
    %max3A_3 = vector.broadcast %max3A : f32 to vector<1024xf32>
    %max3A_4 = arith.maximumf %reduce_sum3A_2, %max3A_3 : vector<1024xf32>
    %div3A = arith.constant 1.000000e+00 : f32
    %div3A_5 = vector.broadcast %div3A : f32 to vector<1024xf32>
    %div3A_6 = arith.divf %div3A_5, %max3A_4 : vector<1024xf32>
    %get3A_7 = arith.constant 0 : index
    %get3A_8 = arith.constant 0 : index
    %get3A_9 = arith.constant 0 : index
    %get3A_10 = vector.load %arg1[%get3A_7, %get3A_8, %get3A_9] : memref<2x1024x128xf32, #tpu.memory_space<vmem>>, vector<1x1024x128xf32>
    %get3A_11 = vector.shape_cast %get3A_10 : vector<1x1024x128xf32> to vector<1024x128xf32>
    %get3A_12 = arith.constant 1 : index
    %get3A_13 = arith.constant 0 : index
    %get3A_14 = arith.constant 0 : index
    %get3A_15 = vector.load %arg1[%get3A_12, %get3A_13, %get3A_14] : memref<2x1024x128xf32, #tpu.memory_space<vmem>>, vector<1x1024x128xf32>
    %get3A_16 = vector.shape_cast %get3A_15 : vector<1x1024x128xf32> to vector<1024x128xf32>
    %add3A = arith.addf %get3A_11, %get3A_16 : vector<1024x128xf32>
    %broadcast_in_dim3A = vector.shape_cast %div3A_6 : vector<1024xf32> to vector<1024x1xf32>
    %mul3A = vector.broadcast %broadcast_in_dim3A : vector<1024x1xf32> to vector<1024x128xf32>
    %mul3A_17 = arith.mulf %add3A, %mul3A : vector<1024x128xf32>
    %get3A_18 = arith.constant 0 : index
    %get3A_19 = arith.constant 0 : index
    %get3A_20 = vector.load %arg4[%get3A_18, %get3A_19] : memref<128x128xf32, #tpu.memory_space<vmem>>, vector<128x128xf32>
    %dot_general3A = arith.constant dense<0.000000e+00> : vector<1024x128xf32>
    %dot_general3A_21 = tpu.matmul %mul3A_17, %get3A_20, %dot_general3A {dimension_numbers = #tpu.dot_dimension_numbers<[1], [0], [0], [1], [0, 0, 1, 1], [], []>, transpose_lhs_hint = false} : vector<1024x128xf32>, vector<128x128xf32>, vector<1024x128xf32> -> vector<1024x128xf32>
    %get3A_22 = arith.constant 0 : index
    %get3A_23 = arith.constant 0 : index
    %get3A_24 = vector.load %arg3[%get3A_22, %get3A_23] : memref<1024x128xf32, #tpu.memory_space<vmem>>, vector<1024x128xf32>
    %get3A_25 = arith.constant 0 : index
    %get3A_26 = arith.constant 0 : index
    %get3A_27 = vector.load %arg5[%get3A_25, %get3A_26] : memref<128x128xf32, #tpu.memory_space<vmem>>, vector<128x128xf32>
    %dot_general3A_28 = arith.constant dense<0.000000e+00> : vector<1024x128xf32>
    %dot_general3A_29 = tpu.matmul %get3A_24, %get3A_27, %dot_general3A_28 {dimension_numbers = #tpu.dot_dimension_numbers<[1], [0], [0], [1], [0, 0, 1, 1], [], []>, transpose_lhs_hint = false} : vector<1024x128xf32>, vector<128x128xf32>, vector<1024x128xf32> -> vector<1024x128xf32>
    %add3A_30 = arith.addf %dot_general3A_21, %dot_general3A_29 : vector<1024x128xf32>
    %get3A_31 = arith.constant 0 : index
    %get3A_32 = arith.constant 0 : index
    %get3A_33 = vector.load %arg6[%get3A_31, %get3A_32] : memref<1x128xf32, #tpu.memory_space<vmem>>, vector<1x128xf32>
    %add3A_34 = vector.broadcast %get3A_33 : vector<1x128xf32> to vector<1024x128xf32>
    %add3A_35 = arith.addf %add3A_30, %add3A_34 : vector<1024x128xf32>
    %swap3A = arith.constant 0 : index
    %swap3A_36 = arith.constant 0 : index
    %swap3A_37 = vector.load %arg7[%swap3A, %swap3A_36] : memref<1024x128xf32, #tpu.memory_space<vmem>>, vector<1024x128xf32>
    tpu.vector_store %arg7[%swap3A, %swap3A_36], %add3A_35 {strides = array<i32>} : memref<1024x128xf32, #tpu.memory_space<vmem>>, vector<1024x128xf32>,
    return
  }
  func.func @transform_0(%arg0: i32) -> (i32, i32, i32) {
    %c0_i32 = arith.constant 0 : i32
    %c0_i32_0 = arith.constant 0 : i32
    %c0_i32_1 = arith.constant 0 : i32
    return %c0_i32, %arg0, %c0_i32_0 : i32, i32, i32
  }
  func.func @transform_1(%arg0: i32) -> (i32, i32) {
    %c0_i32 = arith.constant 0 : i32
    %c0_i32_0 = arith.constant 0 : i32
    return %c0_i32, %arg0 : i32, i32
  }
  func.func @transform_2(%arg0: i32) -> (i32, i32) {
    %c0_i32 = arith.constant 0 : i32
    %c0_i32_0 = arith.constant 0 : i32
    return %arg0, %c0_i32 : i32, i32
  }
  func.func @transform_3(%arg0: i32) -> (i32, i32) {
    %c0_i32 = arith.constant 0 : i32
    %c0_i32_0 = arith.constant 0 : i32
    %c0_i32_1 = arith.constant 0 : i32
    return %c0_i32, %c0_i32_0 : i32, i32
  }
  func.func @transform_4(%arg0: i32) -> (i32, i32) {
    %c0_i32 = arith.constant 0 : i32
    %c0_i32_0 = arith.constant 0 : i32
    %c0_i32_1 = arith.constant 0 : i32
    return %c0_i32, %c0_i32_0 : i32, i32
  }
  func.func @transform_5(%arg0: i32) -> (i32, i32) {
    %c0_i32 = arith.constant 0 : i32
    %c0_i32_0 = arith.constant 0 : i32
    %c0_i32_1 = arith.constant 0 : i32
    return %c0_i32, %c0_i32_0 : i32, i32
  }
  func.func @transform_6(%arg0: i32) -> (i32, i32) {
    %c0_i32 = arith.constant 0 : i32
    %c0_i32_0 = arith.constant 0 : i32
    return %arg0, %c0_i32 : i32, i32
  }
}

</mosaic_0001>

<sc_bundles>
// kernel: sc_agg.3.cloned.1.call-start
scs
__scs_entry_jumppad:
0x0: {  	(pc) =	sbr.rel $0x88, $3  }
0x1: {  	(tag) =	ssettag $0x0;
	lr =	simm.s32 $0x1  }
0x2: {  	[smem:$0x3F99] =	sst lr;
	_ =	strace $0xD0000000  }
0x3: {  	_ = 	snop  }
0x4: {  	_ = 	snop  }
0x5: {  	_ = 	snop  }
0x6: {  	_ = 	snop  }
0x7: {  	_ = 	snop  }
__scs_overlays_trampoline_lowered:
0x8: {  	[smem:$0x3FA8] =	sst s0  }
0x9: {  	[smem:$0x3FA9] =	sst s1  }
0xa: {  	[smem:$0x3FAA] =	sst s2  }
0xb: {  	[smem:$0x3FAB] =	sst s3  }
0xc: {  	[smem:$0x3FAC] =	sst s4  }
0xd: {  	[smem:$0x3FAD] =	sst s5  }
0xe: {  	[smem:$0x3FAE] =	sst s6  }
0xf: {  	[smem:$0x3FAF] =	sst s7  }
0x10: {  	[smem:$0x3FB0] =	sst s8  }
0x11: {  	[smem:$0x3FB1] =	sst s9;
	s0 =	simm.s32 @!p0 $0x0  }
0x12: {  	s1 =	sld [smem:$0x3F97];
	s0 =	simm.s32 @p0 $0x1  }
0x13: {  	[smem:$0x3FB2] =	sst s0;
	s0 =	simm.s32 @!p1 $0x0  }
0x14: {  	s2 =	sld [smem:$0x3F96];
	s0 =	simm.s32 @p1 $0x1  }
0x15: {  	[smem:$0x3FB3] =	sst s0;
	s0 =	simm.s32 @!p2 $0x0  }
0x16: {  	s3 =	sld [smem:$0x3FDB];
	s0 =	simm.s32 @p2 $0x1  }
0x17: {  	s4 =	simm.s32 $0x1BF5;
	[smem:$0x3FB5] =	sst s0  }
0x18: {  	s0 =	sld [smem:$0x3F98];
	_ =	swait.ge [sflag:s4], $0x0  }
0x19: {  	s7 =	sld [smem:$0x3F99]  }
0x1a: {  	s8 =	sadd.s32 $0xFFFFE003, lr  }
0x1b: {  	s9 =	sadd.s32 $0xFFFFFEF7, lr;
	s5 =	simm.s32 $0xFFFFFFFF;
	p2 =	slt.u32 s8, $0xFFFFF086  }
0x1c: {  	p1 =	slt.u32 s9, $0xF7A;
	s5 =	simm.s32 @!p2 $0x0  }
0x1d: {  	s5 =	simm.s32 @p1 $0x1;
	p0 =	seq.s32 s7, s2  }
0x1e: {  	s7 =	smul.u32 @!p0 $0xF7A, s2;
	p2 =	seq.s32 @!p0 s5, $0x0  }
0x1f: {  	s9 =	smul.u32 $0xF7A, s1;
	s8 =	simm.s32 @!p0 $0x1BF5;
	p2 =	por !p2, p0  }
0x20: {  	[sflag:s8] =	ssyncset.s32 @!p0 $0xFFFFF086;
	s6 =	sadd.s32 @!p0 s3, s7;
	s7 =	simm.s32 @!p0 $0x108  }
0x21: {  	s3 =	sadd.s32 s3, s9;
	s6 =	sadd.s32 @!p0 $0x88, s6;
	s7 =	simm.s32 @p2 $0x1082  }
0x22: {  	[simem:s7], [sflag:s8] =	dma.local @!p0 [hbm:s6], $0xF7A  }
0x23: {  	s9 =	sor.u32 $0xD0000000, s2;
	s6 =	simm.s32 $0x108;
	_ =	swait.ge @!p0 [sflag:s8], $0x0  }
0x24: {  	s3 =	sadd.s32 $0x88, s3;
	s6 =	simm.s32 @!p1 $0x1082;
	[sflag:s4] =	ssyncset.s32 $0xFFFFF086  }
0x25: {  	[simem:s6], [sflag:s4] =	dma.local [hbm:s3], $0xF7A  }
0x26: {  	[smem:$0x3F99] =	sst s1;
	(tag) =	ssettag s2;
	_ =	strace s9  }
0x27: {  	s1 =	sld [smem:$0x3FA9]  }
0x28: {  	s2 =	sld [smem:$0x3FAA]  }
0x29: {  	s4 =	sld [smem:$0x3FAC]  }
0x2a: {  	p0 =	seq.s32 s5, $0x0;
	s5 =	sld [smem:$0x3FAD]  }
0x2b: {  	s6 =	sld [smem:$0x3FAE]  }
0x2c: {  	s7 =	sld [smem:$0x3FAF]  }
0x2d: {  	s3 =	simm.s32 $0x108;
	s8 =	sld [smem:$0x3FB0]  }
0x2e: {  	s3 =	simm.s32 @!p0 $0x1082;
	s9 =	sld [smem:$0x3FB1]  }
0x2f: {  	lr =	sadd.s32 s0, s3;
	s0 =	sld [smem:$0x3FA8]  }
0x30: {  	s3 =	sld [smem:$0x3FAB]  }
0x31: {  	[smem:$0x3FB4] =	sst s10  }
0x32: {  	s10 =	sld [smem:$0x3FB2];
	_ =	sdelay $0x3  }
0x33: {  	p0 =	seq.s32 s10, $0x1;
	s10 =	sld [smem:$0x3FB4];
	_ =	sdelay $0x3  }
0x34: {  	[smem:$0x3FB4] =	sst s10  }
0x35: {  	s10 =	sld [smem:$0x3FB3];
	_ =	sdelay $0x3  }
0x36: {  	p1 =	seq.s32 s10, $0x1;
	s10 =	sld [smem:$0x3FB4];
	_ =	sdelay $0x3  }
0x37: {  	[smem:$0x3FB4] =	sst s10  }
0x38: {  	s10 =	sld [smem:$0x3FB5]  }
0x39: {  	_ = 	snop;
	(pc) =	sbr.ind lr, $3  }
0x3a: {  	_ = 	snop  }
0x3b: {  	_ = 	snop  }
0x3c: {  	p2 =	seq.s32 s10, $0x1;
	s10 =	sld [smem:$0x3FB4]  }
0x3d: {  	_ =	shalt  }
0x3e: {  	_ =	shalt  }
0x3f: {  	_ =	shalt  }
0x40: {  	_ =	shalt  }
0x41: {  	_ =	shalt  }
0x42: {  	_ =	shalt  }
0x43: {  	_ =	shalt  }
0x44: {  	_ =	shalt  }
0x45: {  	_ =	shalt  }
0x46: {  	_ =	shalt  }
0x47: {  	_ =	shalt  }
0x48: {  	_ =	shalt  }
0x49: {  	_ =	shalt  }
0x4a: {  	_ =	shalt  }
0x4b: {  	_ =	shalt  }
0x4c: {  	_ =	shalt  }
0x4d: {  	_ =	shalt  }
0x4e: {  	_ =	shalt  }
0x4f: {  	_ =	shalt  }
0x50: {  	_ =	shalt  }
0x51: {  	_ =	shalt  }
0x52: {  	_ =	shalt  }
0x53: {  	_ =	shalt  }
0x54: {  	_ =	shalt  }
0x55: {  	_ =	shalt  }
0x56: {  	_ =	shalt  }
0x57: {  	_ =	shalt  }
0x58: {  	_ =	shalt  }
0x59: {  	_ =	shalt  }
0x5a: {  	_ =	shalt  }
0x5b: {  	_ =	shalt  }
0x5c: {  	_ =	shalt  }
0x5d: {  	_ =	shalt  }
0x5e: {  	_ =	shalt  }
0x5f: {  	_ =	shalt  }
0x60: {  	_ =	shalt  }
0x61: {  	_ =	shalt  }
0x62: {  	_ =	shalt  }
0x63: {  	_ =	shalt  }
0x64: {  	_ =	shalt  }
0x65: {  	_ =	shalt  }
0x66: {  	_ =	shalt  }
0x67: {  	_ =	shalt  }
0x68: {  	_ =	shalt  }
0x69: {  	_ =	shalt  }
0x6a: {  	_ =	shalt  }
0x6b: {  	_ =	shalt  }
0x6c: {  	_ =	shalt  }
0x6d: {  	_ =	shalt  }
0x6e: {  	_ =	shalt  }
0x6f: {  	_ =	shalt  }
0x70: {  	_ =	shalt  }
0x71: {  	_ =	shalt  }
0x72: {  	_ =	shalt  }
0x73: {  	_ =	shalt  }
0x74: {  	_ =	shalt  }
0x75: {  	_ =	shalt  }
0x76: {  	_ =	shalt  }
0x77: {  	_ =	shalt  }
0x78: {  	_ =	shalt  }
0x79: {  	_ =	shalt  }
0x7a: {  	_ =	shalt  }
0x7b: {  	_ =	shalt  }
0x7c: {  	_ =	shalt  }
0x7d: {  	_ =	shalt  }
0x7e: {  	_ =	shalt  }
0x7f: {  	_ =	shalt  }
0x80: {  	_ =	shalt  }
0x81: {  	_ =	shalt  }
0x82: {  	_ =	shalt  }
0x83: {  	_ =	shalt  }
0x84: {  	_ =	shalt  }
0x85: {  	_ =	shalt  }
0x86: {  	_ =	shalt  }
0x87: {  	_ =	shalt  }
.Lfunc_end0:
.L_simem_size_0:
called_computation.1_lowered:
.L_overlay_start_0:
0x88: {  	s2 =	sld [smem:$0x3FD9]  }
0x89: {  	s3 =	sld [smem:$0x3FFE];
	_ =	sdelay $0x1  }
0x8a: {  	s1 =	srdreg.scid  }
0x8b: {  	s0 =	sand.u32 $0x1, s1  }
0x8c: {  	s16 =	sshll.u32 s0, $0xA;
	s2 =	sadd.s32 s3, s2  }
0x8d: {  	s2 =	sadd.s32 s2, s16  }
0x8e: {  	[smem:$0x3FC0] =	sst s2  }
0x8f: {  	_ = 	snop  }
0x90: {  	(tm) =	ssettm $0x1  }
0x91: {  	s17 =	sld [smem:$0x3FFB];
	_ =	sdelay $0x3  }
0x92: {  	_ =	strace s17  }
0x93: {  	s2 =	sld [smem:$0x3FFC];
	_ =	sdelay $0x3  }
0x94: {  	_ =	strace s2  }
0x95: {  	s2 =	sld [smem:$0x3FFD];
	_ =	sdelay $0x3  }
0x96: {  	_ =	strace s2  }
0x97: {  	_ =	strace $0x8FFFFFFF  }
0x98: {  	s18 =	sld [smem:$0x3FDB];
	_ =	sdelay $0x1  }
0x99: {  	s19 =	simm.s32 $_scs_section_size  }
0x9a: {  	s4 =	simm.s32 $_size__tile_overlayer_lowered;
	s5 =	simm.s32 $_tile_overlayer_lowered  }
0x9b: {  	s22 =	simm.s32 $0x1BFF;
	s21 =	sshll.u32 s5, $0x1;
	s2 =	sadd.s32 s19, s18  }
0x9c: {  	s6 =	simm.s32 $0x0;
	s20 =	sshll.u32 s4, $0x1;
	s4 =	sadd.s32 s21, s2  }
0x9d: {  	[timem:s6], [sflag:s22] =	dma.local [hbm:s4], s20  }
0x9e: {  	_ =	swait.ge [sflag:s22], s20  }
0x9f: {  	s3 =	ssub.s32 $0x0, s20;
	[sflag:s22] =	ssyncset.done $0x0  }
0xa0: {  	[sflag:s22] =	ssyncadd.s32 s3;
	_ =	sdelay $0x1  }
0xa1: {  	s23 =	simm.s32 $0x1B8B  }
0xa2: {  	_ =	swait.ge [sflag:s23], $0x1  }
0xa3: {  	[sflag:s23] =	ssyncset.done $0x0  }
0xa4: {  	s25 =	simm.s32 $0x1B8E;
	s24 =	sld [smem:$0x3FFE];
	[sflag:s23] =	ssyncadd.s32 $0xFFFFFFFF  }
0xa5: {  	s26 =	simm.s32 $execute0_lowered;
	[smem:$0x3FD2] =	sst s25  }
0xa6: {  	s4 =	sshll.u32 s26, $0x1;
	_ =	strace $0x80000049;
	[dreg:$0x1] =	wrdreg $0xFFFFFFFF  }
0xa7: {  	s28 =	simm.s32 $_size_execute0_lowered;
	s2 =	sadd.s32 s2, s4;
	[dreg:$0x0] =	wrdreg $0x0  }
0xa8: {  	s4 =	sshll.u32 s28, $0x1;
	[dreg:$0x2] =	wrdreg s2  }
0xa9: {  	[dreg:$0x3] =	wrdreg s4  }
0xaa: {  	[dreg:$0x4] =	wrdreg $0xC0  }
0xab: {  	_ =	task [dreg:s6], $0x5FFFF  }
0xac: {  	[dreg:$0x1] =	wrdreg $0xFFFFFFFF  }
0xad: {  	[dreg:$0x0] =	wrdreg $0x60  }
0xae: {  	[dreg:$0x2] =	wrdreg s24  }
0xaf: {  	[dreg:$0x3] =	wrdreg $0x29000  }
0xb0: {  	[dreg:$0x4] =	wrdreg $0x9  }
0xb1: {  	_ =	task.clear_ibuf [dreg:s6], $0x5FFFF;
	_ =	strace $0x90000049  }
0xb2: {  	s29 =	simm.s32 $0x9;
	_ =	strace $0x8000004B  }
0xb3: {  	_ =	swait.ge [sflag:s29], $0x1  }
0xb4: {  	[sflag:s29] =	ssyncadd.s32 $0xFFFFFFFF  }
0xb5: {  	_ =	strace $0x9000004B  }
0xb6: {  	_ =	sfence  }
0xb7: {  	s30 =	sld [smem:$0x0];
	_ =	sdelay $0x2  }
0xb8: {  	s31 =	sshll.u32 s1, $0xD;
	s1 =	sshrl.u32 s1, $0x2  }
0xb9: {  	s3 =	sand.u32 $0x4000, s31;
	s1 =	sadd.s32 s1, s30  }
0xba: {  	s0 =	sor.u32 s3, s0;
	s1 =	sshll.u32 s1, $0x11  }
0xbb: {  	s0 =	sor.u32 s1, s0  }
0xbc: {  	s0 =	sadd.s32 $0x8F2B, s0  }
0xbd: {  	[sflag:s0] =	ssyncadd.remote.s32 $0x1  }
0xbe: {  	_ =	sfence.sel $0xFFFF  }
0xbf: {  	[dreg:$0x0] =	wrdreg $0xFFFFFFFF;
	(pc) =	sbr.abs _section_cstart, $3  }
0xc0: {  	[dreg:$0x1] =	wrdreg $0xFFFFFFFF  }
0xc1: {  	_ =	task.clear_ibuf [dreg:s6], $0x2FFFF;
	_ =	strace $0x9FFFFFFF  }
0xc2: {  	(tm) =	ssettm $0x7FFFFFFF  }
0xc3: {  	_ =	shalt  }
tec
execute0_lowered:
.L_overlay_start_1:
0x0: {  	(tag) =	ssettag $0x1  }
0x1: {  	s5 =	rddreg [dreg:$0x0]  }
0x2: {  	s0 =	srdreg.scid;
	s2 =	rddreg [dreg:$0x1]  }
0x3: {  	s1 =	rddreg [dreg:$0x2];
	s6 =	sand.u32 $0x1, s0  }
0x4: {  	s0 =	stileid.u32;
	s4 =	smul.u32 $0x27100, s6  }
0x5: {  	s3 =	simm.s32 $0x0;
	s17 =	simm.s32 $0x100;
	s7 =	smul.u32 $0x2710, s0  }
0x6: {  	s18 =	simm.s32 $0x2;
	s19 =	simm.s32 $0x80;
	s8 =	smul.u32 $0x140000, s6  }
0x7: {  	s20 =	simm.s32 $0x50;
	s21 =	simm.s32 $0x1;
	s29 =	smul.u32 $0x14000, s0  }
0x8: {  	s22 =	simm.s32 $0x0;
	s10 =	smul.u32 $0x50000, s0;
	s6 =	ssub.s32 $0x2, s6  }
0x9: {  	[smem:$0x7FF] =	sst s3;
	s31 =	sshrl.u32 s6, $0x1;
	s4 =	sadd.s32 s7, s4  }
0xa: {  	s7 =	sadd.s32 s29, s8;
	s30 =	sshrl.u32 s10, $0x2;
	s14 =	ssub.s32 s6, s31  }
0xb: {  	s9 =	sshrl.u32 s4, $0x3;
	s4 =	sadd.s32 $0x16200, s5;
	s7 =	sshrl.u32 s7, $0x3  }
0xc: {  	s16 =	sadd.s32 s9, s5;
	s13 =	sadd.s32 s7, s5;
	s5 =	sadd.s32 s30, s2  }
0xd: {  	_ =	strace $0x8000004A;
	s14 =	smax.u32 s14, $0x1;
	s6 =	sadd.s32 $0x2800, s5  }
0xe: {  	s7 =	sadd.s32 $0x5000, s5;
	s8 =	sadd.s32 $0x7800, s5;
	s9 =	sadd.s32 $0xA000, s5  }
0xf: {  	s10 =	sadd.s32 $0xC800, s5;
	s11 =	sadd.s32 $0xF000, s5;
	s12 =	sadd.s32 $0x11800, s5  }
0x10: {  	v0 =	vimm.f32 $0.0e+00;
	s13 =	sadd.s32 $0x3E200, s13;
	s15 =	sadd.s32 $0x2600, s16;
	s16 =	sadd.s32 $0xC400, s16  }
.LBB2_1:
0x11: {  	s23 =	simm.s32 $0x0;
	s24 =	simm.s32 $0x200  }
.LBB2_2:
0x12: {  	p0 =	sne.s32 s24, $0x9E00;
	[tilespmem:s23+$0x170] =	vst v0  }
0x13: {  	[tilespmem:s23+$0x100] =	vst v0  }
0x14: {  	[tilespmem:s23+$0x110] =	vst v0  }
.Ltmp0:
0x15: {  	[tilespmem:s23+$0x120] =	vst v0;
	(pc) =	sbr.rel @p0 .LBB2_2-.Ltmp0, $4  }
0x16: {  	[tilespmem:s23+$0x130] =	vst v0  }
0x17: {  	[tilespmem:s23+$0x140] =	vst v0  }
0x18: {  	[tilespmem:s23+$0x150] =	vst v0  }
0x19: {  	[tilespmem:s23+$0x160] =	vst v0;
	s23 =	sshra.s32 s24, $0x2;
	s24 =	sadd.s32 $0x200, s24  }
0x1a: {  	[tilespmem:s23+$0x170] =	vst v0  }
0x1b: {  	[tilespmem:s23+$0x100] =	vst v0  }
0x1c: {  	[tilespmem:s23+$0x110] =	vst v0  }
0x1d: {  	[tilespmem:s23+$0x120] =	vst v0  }
0x1e: {  	[tilespmem:s23+$0x130] =	vst v0  }
0x1f: {  	[tilespmem:s23+$0x140] =	vst v0  }
0x20: {  	[tilespmem:s23+$0x150] =	vst v0  }
0x21: {  	[tilespmem:s23+$0x160] =	vst v0  }
0x22: {  	[spmem:s5] =	stream.linear.scatter [tilespmem:s17], [sflag:$0x2], $0x2800, $0x38;
	[tilespmem:$0x16900] =	vst v63  }
0x23: {  	_ =	swait.ge [sflag:s18], $0x2800  }
0x24: {  	[sflag:s18] =	ssyncset.done $0x0  }
0x25: {  	[sflag:s18] =	ssyncadd.s32 $0xFFFFD800  }
0x26: {  	[spmem:s6] =	stream.linear.scatter [tilespmem:s17], [sflag:$0x2], $0x2800, $0x38;
	[tilespmem:$0x16900] =	vst v63  }
0x27: {  	_ =	swait.ge [sflag:s18], $0x2800  }
0x28: {  	[sflag:s18] =	ssyncset.done $0x0  }
0x29: {  	[sflag:s18] =	ssyncadd.s32 $0xFFFFD800  }
0x2a: {  	[spmem:s7] =	stream.linear.scatter [tilespmem:s17], [sflag:$0x2], $0x2800, $0x38;
	[tilespmem:$0x16900] =	vst v63  }
0x2b: {  	_ =	swait.ge [sflag:s18], $0x2800  }
0x2c: {  	[sflag:s18] =	ssyncset.done $0x0  }
0x2d: {  	[sflag:s18] =	ssyncadd.s32 $0xFFFFD800  }
0x2e: {  	[spmem:s8] =	stream.linear.scatter [tilespmem:s17], [sflag:$0x2], $0x2800, $0x38;
	[tilespmem:$0x16900] =	vst v63  }
0x2f: {  	_ =	swait.ge [sflag:s18], $0x2800  }
0x30: {  	[sflag:s18] =	ssyncset.done $0x0  }
0x31: {  	[sflag:s18] =	ssyncadd.s32 $0xFFFFD800  }
0x32: {  	[spmem:s9] =	stream.linear.scatter [tilespmem:s17], [sflag:$0x2], $0x2800, $0x38;
	[tilespmem:$0x16900] =	vst v63  }
0x33: {  	_ =	swait.ge [sflag:s18], $0x2800  }
0x34: {  	[sflag:s18] =	ssyncset.done $0x0  }
0x35: {  	[sflag:s18] =	ssyncadd.s32 $0xFFFFD800  }
0x36: {  	[spmem:s10] =	stream.linear.scatter [tilespmem:s17], [sflag:$0x2], $0x2800, $0x38;
	[tilespmem:$0x16900] =	vst v63  }
0x37: {  	_ =	swait.ge [sflag:s18], $0x2800  }
0x38: {  	[sflag:s18] =	ssyncset.done $0x0  }
0x39: {  	[sflag:s18] =	ssyncadd.s32 $0xFFFFD800  }
0x3a: {  	[spmem:s11] =	stream.linear.scatter [tilespmem:s17], [sflag:$0x2], $0x2800, $0x38;
	[tilespmem:$0x16900] =	vst v63  }
0x3b: {  	_ =	swait.ge [sflag:s18], $0x2800  }
0x3c: {  	[sflag:s18] =	ssyncset.done $0x0  }
0x3d: {  	[sflag:s18] =	ssyncadd.s32 $0xFFFFD800  }
0x3e: {  	[spmem:s12] =	stream.linear.scatter [tilespmem:s17], [sflag:$0x2], $0x2800, $0x38;
	[tilespmem:$0x16900] =	vst v63  }
0x3f: {  	_ =	swait.ge [sflag:s18], $0x2800  }
0x40: {  	[sflag:s18] =	ssyncset.done $0x0  }
0x41: {  	[sflag:s18] =	ssyncadd.s32 $0xFFFFD800  }
0x42: {  	s30 =	sadd.s32 $0x0, s16;
	[bflag:$0x0] =	sbarrier.arrive $0xFFFF  }
0x43: {  	[tilespmem:s3], [sflag:$0x2] =	stream.linear.gather [hbm4b:s30+s3], $0x50, $0x38;
	[tilespmem:$0x16900] =	vst v63  }
0x44: {  	_ =	swait.ge [sflag:s18], $0x50  }
0x45: {  	[sflag:s18] =	ssyncset.done $0x0  }
0x46: {  	s31 =	sadd.s32 $0x0, s15;
	[sflag:s18] =	ssyncadd.s32 $0xFFFFFFB0  }
0x47: {  	[tilespmem:s19], [sflag:$0x2] =	stream.linear.gather [hbm4b:s31+s3], $0x50, $0x38;
	[tilespmem:$0x16900] =	vst v63  }
0x48: {  	_ =	swait.ge [sflag:s18], $0x50  }
0x49: {  	[sflag:s18] =	ssyncset.done $0x0  }
0x4a: {  	[sflag:s18] =	ssyncadd.s32 $0xFFFFFFB0  }
0x4b: {  	[tilespmem:s17], [sflag:$0x1] =	stream.indirect.gather [hbm4b:s4+s20], $0x80, s3, s20, $0xb8;
	[tilespmem:$0x16900] =	vst v63  }
0x4c: {  	_ =	swait.ge [sflag:s21], $0x2800  }
0x4d: {  	[sflag:s21] =	ssyncset.done $0x0  }
0x4e: {  	[sflag:s21] =	ssyncadd.s32 $0xFFFFD800  }
0x4f: {  	[spmem:s2] =	stream.indirect.scatter.add.f32 [tilespmem:s17], [sflag:$0x2], $0x80, s19, s20, $0xb8;
	[tilespmem:$0x16900] =	vst v63  }
0x50: {  	_ =	swait.ge [sflag:s18], $0x2800  }
0x51: {  	s23 =	simm.s32 $0xA;
	s24 =	simm.s32 $0x14;
	[sflag:s18] =	ssyncset.done $0x0  }
.LBB2_4:
0x52: {  	s25 =	sadd.s32 s23, s16  }
0x53: {  	[sflag:s18] =	ssyncadd.s32 $0xFFFFD800;
	s26 =	smov.u32 s24;
	s28 =	sadd.s32 $0xA, s24  }
0x54: {  	[tilespmem:s3], [sflag:$0x2] =	stream.linear.gather [hbm4b:s25+s3], $0x50, $0x38;
	[tilespmem:$0x16900] =	vst v63  }
0x55: {  	p0 =	sne.s32 s24, $0x4D8;
	_ =	swait.ge [sflag:s18], $0x50  }
0x56: {  	[sflag:s18] =	ssyncset.done $0x0  }
0x57: {  	s24 =	sadd.s32 s23, s15;
	s23 =	smov.u32 s26;
	[sflag:s18] =	ssyncadd.s32 $0xFFFFFFB0  }
0x58: {  	[tilespmem:s19], [sflag:$0x2] =	stream.linear.gather [hbm4b:s24+s3], $0x50, $0x38;
	[tilespmem:$0x16900] =	vst v63  }
0x59: {  	_ =	swait.ge [sflag:s18], $0x50  }
0x5a: {  	[sflag:s18] =	ssyncset.done $0x0  }
0x5b: {  	[sflag:s18] =	ssyncadd.s32 $0xFFFFFFB0  }
0x5c: {  	[tilespmem:s17], [sflag:$0x1] =	stream.indirect.gather [hbm4b:s4+s20], $0x80, s3, s20, $0xb8;
	[tilespmem:$0x16900] =	vst v63  }
0x5d: {  	_ =	swait.ge [sflag:s21], $0x2800  }
.Ltmp1:
0x5e: {  	[sflag:s21] =	ssyncset.done $0x0;
	(pc) =	sbr.rel @p0 .LBB2_4-.Ltmp1, $4  }
0x5f: {  	[sflag:s21] =	ssyncadd.s32 $0xFFFFD800  }
0x60: {  	[spmem:s2] =	stream.indirect.scatter.add.f32 [tilespmem:s17], [sflag:$0x2], $0x80, s19, s20, $0xb8;
	[tilespmem:$0x16900] =	vst v63  }
0x61: {  	_ =	swait.ge [sflag:s18], $0x2800  }
0x62: {  	s24 =	smov.u32 s28;
	[sflag:s18] =	ssyncset.done $0x0  }
0x63: {  	s24 =	sadd.s32 s23, s16;
	[sflag:s18] =	ssyncadd.s32 $0xFFFFD800  }
0x64: {  	[tilespmem:s3], [sflag:$0x2] =	stream.linear.gather [hbm4b:s24+s3], $0x50, $0x38;
	[tilespmem:$0x16900] =	vst v63  }
0x65: {  	_ =	swait.ge [sflag:s18], $0x50  }
0x66: {  	[sflag:s18] =	ssyncset.done $0x0  }
0x67: {  	s29 =	sadd.s32 s23, s15;
	[sflag:s18] =	ssyncadd.s32 $0xFFFFFFB0  }
0x68: {  	[tilespmem:s19], [sflag:$0x2] =	stream.linear.gather [hbm4b:s29+s3], $0x50, $0x38;
	[tilespmem:$0x16900] =	vst v63  }
0x69: {  	_ =	swait.ge [sflag:s18], $0x50  }
0x6a: {  	[sflag:s18] =	ssyncset.done $0x0  }
0x6b: {  	[sflag:s18] =	ssyncadd.s32 $0xFFFFFFB0  }
0x6c: {  	[tilespmem:s17], [sflag:$0x1] =	stream.indirect.gather [hbm4b:s4+s20], $0x80, s3, s20, $0xb8;
	[tilespmem:$0x16900] =	vst v63  }
0x6d: {  	_ =	swait.ge [sflag:s21], $0x2800  }
0x6e: {  	[sflag:s21] =	ssyncset.done $0x0  }
0x6f: {  	[sflag:s21] =	ssyncadd.s32 $0xFFFFD800  }
0x70: {  	[spmem:s2] =	stream.indirect.scatter.add.f32 [tilespmem:s17], [sflag:$0x2], $0x80, s19, s20, $0xb8;
	[tilespmem:$0x16900] =	vst v63  }
0x71: {  	_ =	swait.ge [sflag:s18], $0x2800  }
0x72: {  	s30 =	sshll.u32 s0, $0x6;
	s22 =	sadd.s32 $0x1, s22;
	[sflag:s18] =	ssyncset.done $0x0  }
0x73: {  	s31 =	sshrl.u32 s5, $0x3;
	p0 =	sne.s32 s22, s14;
	[sflag:s18] =	ssyncadd.s32 $0xFFFFD800  }
.Ltmp2:
0x74: {  	s23 =	sor.u32 $0x1C02, s30;
	[bflag:$0x0] =	sbarrier.arrive $0xFFFF;
	(pc) =	sbr.rel @p0 .LBB2_1-.Ltmp2, $4  }
0x75: {  	[hbm:s13], [sflag:s23] =	dma.local [spmem:s31], $0x2800  }
0x76: {  	_ =	swait.ge [sflag:s18], $0x2800  }
0x77: {  	[sflag:s18] =	ssyncset.done $0x0  }
0x78: {  	[sflag:s18] =	ssyncadd.s32 $0xFFFFD800  }
0x79: {  	_ =	sfence.sel $0x180000  }
0x7a: {  	[bflag:$0x0] =	sbarrier.arrive $0xFFFF  }
0x7b: {  	p0 =	sne.s32 s0, $0x0;
	_ =	strace $0x9000004A  }
0x7c: {  	s0 =	sadd.s32 @!p0 $0x100000, s1;
	[bflag:$0x2] =	sbarrier.arrive $0xFFFF  }
0x7d: {  	[sflag:s0] =	ssyncadd.tile.s32 @!p0 $0x1;
	_ =	shalt  }
.Lfunc_end2:
_tile_overlayer_lowered:
.L_overlay_start_2:
0x7e: {  	(tag) =	ssettag $0x2  }
0x7f: {  	s0 =	rddreg [dreg:$0x0];
	s2 =	stileid.u32  }
0x80: {  	s1 =	rddreg [dreg:$0x1];
	p0 =	sne.s32 s2, $0x0  }
0x81: {  	s3 =	rddreg [dreg:$0x2];
	[bflag:$0x3] =	sbarrier.arrive $0xFFFF;
	s2 =	simm.s32 @!p0 $0x1C02  }
0x82: {  	[timem:s3], [sflag:s2] =	dma.local @!p0 [hbm:s0], s1  }
0x83: {  	s0 =	simm.s32 @!p0 $0x2  }
0x84: {  	_ =	swait.ge @!p0 [sflag:s0], s1  }
0x85: {  	s1 =	ssub.s32 @!p0 $0x0, s1;
	[sflag:s0] =	ssyncset.done @!p0 $0x0  }
0x86: {  	[sflag:s0] =	ssyncadd.s32 @!p0 s1  }
0x87: {  	[bflag:$0x3] =	sbarrier.arrive $0xFFFF  }
0x88: {  	_ =	shalt  }

// kernel: sc_agg_deg.3.cloned.1.call-start
scs
__scs_entry_jumppad:
0x0: {  	(pc) =	sbr.rel $0x88, $3  }
0x1: {  	(tag) =	ssettag $0x0;
	lr =	simm.s32 $0x1  }
0x2: {  	[smem:$0x3F99] =	sst lr;
	_ =	strace $0xD0000000  }
0x3: {  	_ = 	snop  }
0x4: {  	_ = 	snop  }
0x5: {  	_ = 	snop  }
0x6: {  	_ = 	snop  }
0x7: {  	_ = 	snop  }
__scs_overlays_trampoline_lowered:
0x8: {  	[smem:$0x3FA8] =	sst s0  }
0x9: {  	[smem:$0x3FA9] =	sst s1  }
0xa: {  	[smem:$0x3FAA] =	sst s2  }
0xb: {  	[smem:$0x3FAB] =	sst s3  }
0xc: {  	[smem:$0x3FAC] =	sst s4  }
0xd: {  	[smem:$0x3FAD] =	sst s5  }
0xe: {  	[smem:$0x3FAE] =	sst s6  }
0xf: {  	[smem:$0x3FAF] =	sst s7  }
0x10: {  	[smem:$0x3FB0] =	sst s8  }
0x11: {  	[smem:$0x3FB1] =	sst s9;
	s0 =	simm.s32 @!p0 $0x0  }
0x12: {  	s1 =	sld [smem:$0x3F97];
	s0 =	simm.s32 @p0 $0x1  }
0x13: {  	[smem:$0x3FB2] =	sst s0;
	s0 =	simm.s32 @!p1 $0x0  }
0x14: {  	s2 =	sld [smem:$0x3F96];
	s0 =	simm.s32 @p1 $0x1  }
0x15: {  	[smem:$0x3FB3] =	sst s0;
	s0 =	simm.s32 @!p2 $0x0  }
0x16: {  	s3 =	sld [smem:$0x3FDB];
	s0 =	simm.s32 @p2 $0x1  }
0x17: {  	s4 =	simm.s32 $0x1BF5;
	[smem:$0x3FB5] =	sst s0  }
0x18: {  	s0 =	sld [smem:$0x3F98];
	_ =	swait.ge [sflag:s4], $0x0  }
0x19: {  	s7 =	sld [smem:$0x3F99]  }
0x1a: {  	s8 =	sadd.s32 $0xFFFFE003, lr  }
0x1b: {  	s9 =	sadd.s32 $0xFFFFFEF7, lr;
	s5 =	simm.s32 $0xFFFFFFFF;
	p2 =	slt.u32 s8, $0xFFFFF086  }
0x1c: {  	p1 =	slt.u32 s9, $0xF7A;
	s5 =	simm.s32 @!p2 $0x0  }
0x1d: {  	s5 =	simm.s32 @p1 $0x1;
	p0 =	seq.s32 s7, s2  }
0x1e: {  	s7 =	smul.u32 @!p0 $0xF7A, s2;
	p2 =	seq.s32 @!p0 s5, $0x0  }
0x1f: {  	s9 =	smul.u32 $0xF7A, s1;
	s8 =	simm.s32 @!p0 $0x1BF5;
	p2 =	por !p2, p0  }
0x20: {  	[sflag:s8] =	ssyncset.s32 @!p0 $0xFFFFF086;
	s6 =	sadd.s32 @!p0 s3, s7;
	s7 =	simm.s32 @!p0 $0x108  }
0x21: {  	s3 =	sadd.s32 s3, s9;
	s6 =	sadd.s32 @!p0 $0x88, s6;
	s7 =	simm.s32 @p2 $0x1082  }
0x22: {  	[simem:s7], [sflag:s8] =	dma.local @!p0 [hbm:s6], $0xF7A  }
0x23: {  	s9 =	sor.u32 $0xD0000000, s2;
	s6 =	simm.s32 $0x108;
	_ =	swait.ge @!p0 [sflag:s8], $0x0  }
0x24: {  	s3 =	sadd.s32 $0x88, s3;
	s6 =	simm.s32 @!p1 $0x1082;
	[sflag:s4] =	ssyncset.s32 $0xFFFFF086  }
0x25: {  	[simem:s6], [sflag:s4] =	dma.local [hbm:s3], $0xF7A  }
0x26: {  	[smem:$0x3F99] =	sst s1;
	(tag) =	ssettag s2;
	_ =	strace s9  }
0x27: {  	s1 =	sld [smem:$0x3FA9]  }
0x28: {  	s2 =	sld [smem:$0x3FAA]  }
0x29: {  	s4 =	sld [smem:$0x3FAC]  }
0x2a: {  	p0 =	seq.s32 s5, $0x0;
	s5 =	sld [smem:$0x3FAD]  }
0x2b: {  	s6 =	sld [smem:$0x3FAE]  }
0x2c: {  	s7 =	sld [smem:$0x3FAF]  }
0x2d: {  	s3 =	simm.s32 $0x108;
	s8 =	sld [smem:$0x3FB0]  }
0x2e: {  	s3 =	simm.s32 @!p0 $0x1082;
	s9 =	sld [smem:$0x3FB1]  }
0x2f: {  	lr =	sadd.s32 s0, s3;
	s0 =	sld [smem:$0x3FA8]  }
0x30: {  	s3 =	sld [smem:$0x3FAB]  }
0x31: {  	[smem:$0x3FB4] =	sst s10  }
0x32: {  	s10 =	sld [smem:$0x3FB2];
	_ =	sdelay $0x3  }
0x33: {  	p0 =	seq.s32 s10, $0x1;
	s10 =	sld [smem:$0x3FB4];
	_ =	sdelay $0x3  }
0x34: {  	[smem:$0x3FB4] =	sst s10  }
0x35: {  	s10 =	sld [smem:$0x3FB3];
	_ =	sdelay $0x3  }
0x36: {  	p1 =	seq.s32 s10, $0x1;
	s10 =	sld [smem:$0x3FB4];
	_ =	sdelay $0x3  }
0x37: {  	[smem:$0x3FB4] =	sst s10  }
0x38: {  	s10 =	sld [smem:$0x3FB5]  }
0x39: {  	_ = 	snop;
	(pc) =	sbr.ind lr, $3  }
0x3a: {  	_ = 	snop  }
0x3b: {  	_ = 	snop  }
0x3c: {  	p2 =	seq.s32 s10, $0x1;
	s10 =	sld [smem:$0x3FB4]  }
0x3d: {  	_ =	shalt  }
0x3e: {  	_ =	shalt  }
0x3f: {  	_ =	shalt  }
0x40: {  	_ =	shalt  }
0x41: {  	_ =	shalt  }
0x42: {  	_ =	shalt  }
0x43: {  	_ =	shalt  }
0x44: {  	_ =	shalt  }
0x45: {  	_ =	shalt  }
0x46: {  	_ =	shalt  }
0x47: {  	_ =	shalt  }
0x48: {  	_ =	shalt  }
0x49: {  	_ =	shalt  }
0x4a: {  	_ =	shalt  }
0x4b: {  	_ =	shalt  }
0x4c: {  	_ =	shalt  }
0x4d: {  	_ =	shalt  }
0x4e: {  	_ =	shalt  }
0x4f: {  	_ =	shalt  }
0x50: {  	_ =	shalt  }
0x51: {  	_ =	shalt  }
0x52: {  	_ =	shalt  }
0x53: {  	_ =	shalt  }
0x54: {  	_ =	shalt  }
0x55: {  	_ =	shalt  }
0x56: {  	_ =	shalt  }
0x57: {  	_ =	shalt  }
0x58: {  	_ =	shalt  }
0x59: {  	_ =	shalt  }
0x5a: {  	_ =	shalt  }
0x5b: {  	_ =	shalt  }
0x5c: {  	_ =	shalt  }
0x5d: {  	_ =	shalt  }
0x5e: {  	_ =	shalt  }
0x5f: {  	_ =	shalt  }
0x60: {  	_ =	shalt  }
0x61: {  	_ =	shalt  }
0x62: {  	_ =	shalt  }
0x63: {  	_ =	shalt  }
0x64: {  	_ =	shalt  }
0x65: {  	_ =	shalt  }
0x66: {  	_ =	shalt  }
0x67: {  	_ =	shalt  }
0x68: {  	_ =	shalt  }
0x69: {  	_ =	shalt  }
0x6a: {  	_ =	shalt  }
0x6b: {  	_ =	shalt  }
0x6c: {  	_ =	shalt  }
0x6d: {  	_ =	shalt  }
0x6e: {  	_ =	shalt  }
0x6f: {  	_ =	shalt  }
0x70: {  	_ =	shalt  }
0x71: {  	_ =	shalt  }
0x72: {  	_ =	shalt  }
0x73: {  	_ =	shalt  }
0x74: {  	_ =	shalt  }
0x75: {  	_ =	shalt  }
0x76: {  	_ =	shalt  }
0x77: {  	_ =	shalt  }
0x78: {  	_ =	shalt  }
0x79: {  	_ =	shalt  }
0x7a: {  	_ =	shalt  }
0x7b: {  	_ =	shalt  }
0x7c: {  	_ =	shalt  }
0x7d: {  	_ =	shalt  }
0x7e: {  	_ =	shalt  }
0x7f: {  	_ =	shalt  }
0x80: {  	_ =	shalt  }
0x81: {  	_ =	shalt  }
0x82: {  	_ =	shalt  }
0x83: {  	_ =	shalt  }
0x84: {  	_ =	shalt  }
0x85: {  	_ =	shalt  }
0x86: {  	_ =	shalt  }
0x87: {  	_ =	shalt  }
.Lfunc_end0:
.L_simem_size_0:
called_computation_lowered:
.L_overlay_start_0:
0x88: {  	s2 =	sld [smem:$0x3FD9]  }
0x89: {  	s3 =	sld [smem:$0x3FFE];
	_ =	sdelay $0x1  }
0x8a: {  	s1 =	srdreg.scid  }
0x8b: {  	s0 =	sand.u32 $0x1, s1  }
0x8c: {  	s17 =	sshll.u32 s0, $0xA;
	s2 =	sadd.s32 s3, s2  }
0x8d: {  	s2 =	sadd.s32 s2, s17  }
0x8e: {  	[smem:$0x3FC0] =	sst s2  }
0x8f: {  	_ = 	snop  }
0x90: {  	s2 =	sld [smem:$0x3FD0];
	(tm) =	ssettm $0x1  }
0x91: {  	s18 =	sld [smem:$0x3FFB];
	_ =	sdelay $0x3  }
0x92: {  	_ =	strace s18  }
0x93: {  	s3 =	sld [smem:$0x3FFC];
	_ =	sdelay $0x3  }
0x94: {  	_ =	strace s3  }
0x95: {  	s3 =	sld [smem:$0x3FFD];
	_ =	sdelay $0x3  }
0x96: {  	_ =	strace s3  }
0x97: {  	_ =	strace $0x8FFFFFFF  }
0x98: {  	s19 =	sld [smem:$0x3FDB];
	_ =	sdelay $0x1  }
0x99: {  	s4 =	simm.s32 $_scs_section_size  }
0x9a: {  	s5 =	simm.s32 $_size__tile_overlayer_lowered;
	s6 =	simm.s32 $_tile_overlayer_lowered  }
0x9b: {  	s22 =	simm.s32 $0x1BFF;
	s21 =	sshll.u32 s6, $0x1;
	s3 =	sadd.s32 s4, s19  }
0x9c: {  	s7 =	simm.s32 $0x0;
	s20 =	sshll.u32 s5, $0x1;
	s5 =	sadd.s32 s21, s3  }
0x9d: {  	[timem:s7], [sflag:s22] =	dma.local [hbm:s5], s20  }
0x9e: {  	_ =	swait.ge [sflag:s22], s20  }
0x9f: {  	s4 =	ssub.s32 $0x0, s20;
	[sflag:s22] =	ssyncset.done $0x0  }
0xa0: {  	[sflag:s22] =	ssyncadd.s32 s4;
	_ =	sdelay $0x1  }
0xa1: {  	s23 =	simm.s32 $0x1B8B  }
0xa2: {  	_ =	swait.ge [sflag:s23], $0x1  }
0xa3: {  	[sflag:s23] =	ssyncset.done $0x0  }
0xa4: {  	s25 =	simm.s32 $0x1B8E;
	s24 =	sld [smem:$0x3FFE];
	[sflag:s23] =	ssyncadd.s32 $0xFFFFFFFF  }
0xa5: {  	s26 =	simm.s32 $execute0_lowered;
	[smem:$0x3FD2] =	sst s25  }
0xa6: {  	s5 =	sshll.u32 s26, $0x1;
	_ =	strace $0x80000046;
	[dreg:$0x1] =	wrdreg $0xFFFFFFFF  }
0xa7: {  	s28 =	simm.s32 $_size_execute0_lowered;
	s3 =	sadd.s32 s3, s5;
	[dreg:$0x0] =	wrdreg $0x0  }
0xa8: {  	s5 =	sshll.u32 s28, $0x1;
	[dreg:$0x2] =	wrdreg s3  }
0xa9: {  	[dreg:$0x3] =	wrdreg s5  }
0xaa: {  	[dreg:$0x4] =	wrdreg $0xC0  }
0xab: {  	_ =	task [dreg:s7], $0x5FFFF  }
0xac: {  	[dreg:$0x1] =	wrdreg $0xFFFFFFFF  }
0xad: {  	[dreg:$0x0] =	wrdreg $0x60  }
0xae: {  	[dreg:$0x2] =	wrdreg s24  }
0xaf: {  	[dreg:$0x3] =	wrdreg s2  }
0xb0: {  	[dreg:$0x4] =	wrdreg $0x51000  }
0xb1: {  	[dreg:$0x5] =	wrdreg $0x9  }
0xb2: {  	_ =	task.clear_ibuf [dreg:s7], $0x6FFFF;
	_ =	strace $0x90000046  }
0xb3: {  	s29 =	simm.s32 $0x9;
	_ =	strace $0x80000048  }
0xb4: {  	_ =	swait.ge [sflag:s29], $0x1  }
0xb5: {  	[sflag:s29] =	ssyncadd.s32 $0xFFFFFFFF  }
0xb6: {  	_ =	strace $0x90000048  }
0xb7: {  	_ =	sfence  }
0xb8: {  	s30 =	sld [smem:$0x0];
	_ =	sdelay $0x2  }
0xb9: {  	s31 =	sshll.u32 s1, $0xD;
	s1 =	sshrl.u32 s1, $0x2  }
0xba: {  	s3 =	sand.u32 $0x4000, s31;
	s1 =	sadd.s32 s1, s30  }
0xbb: {  	s0 =	sor.u32 s3, s0;
	s1 =	sshll.u32 s1, $0x11  }
0xbc: {  	s0 =	sor.u32 s1, s0  }
0xbd: {  	s0 =	sadd.s32 $0x8F2B, s0  }
0xbe: {  	[sflag:s0] =	ssyncadd.remote.s32 $0x1  }
0xbf: {  	_ =	sfence.sel $0xFFFF  }
0xc0: {  	[dreg:$0x0] =	wrdreg $0xFFFFFFFF;
	(pc) =	sbr.abs _section_cstart, $3  }
0xc1: {  	[dreg:$0x1] =	wrdreg $0xFFFFFFFF  }
0xc2: {  	_ =	task.clear_ibuf [dreg:s7], $0x2FFFF;
	_ =	strace $0x9FFFFFFF  }
0xc3: {  	(tm) =	ssettm $0x7FFFFFFF  }
tec
execute0_lowered:
.L_overlay_start_1:
0x0: {  	(tag) =	ssettag $0x1  }
0x1: {  	s5 =	rddreg [dreg:$0x0]  }
0x2: {  	s0 =	srdreg.scid;
	s14 =	rddreg [dreg:$0x1]  }
0x3: {  	s2 =	rddreg [dreg:$0x2];
	s6 =	sand.u32 $0x1, s0  }
0x4: {  	s0 =	stileid.u32;
	s4 =	smul.u32 $0x27100, s6  }
0x5: {  	s1 =	rddreg [dreg:$0x3];
	s3 =	simm.s32 $0x0;
	s7 =	smul.u32 $0x2710, s0  }
0x6: {  	s18 =	simm.s32 $0x100;
	s19 =	simm.s32 $0x2;
	s8 =	smul.u32 $0x140000, s6  }
0x7: {  	s20 =	simm.s32 $0x80;
	[smem:$0x7FF] =	sst s3;
	s9 =	smul.u32 $0x14000, s0  }
0x8: {  	s21 =	simm.s32 $0x50;
	_ =	strace $0x80000047;
	s24 =	smul.u32 $0x50000, s0  }
0x9: {  	s25 =	ssub.s32 $0x2, s6;
	s26 =	sshll.u32 s6, $0x4;
	s10 =	sshll.u32 s0, $0x7  }
0xa: {  	s29 =	sshrl.u32 s25, $0x1;
	s30 =	sor.u32 s0, s26;
	s16 =	sand.u32 $0x380, s10  }
0xb: {  	s4 =	sadd.s32 s7, s4;
	s22 =	sadd.s32 s9, s8;
	s28 =	sshrl.u32 s24, $0x2  }
0xc: {  	s15 =	ssub.s32 s25, s29;
	s31 =	sshrl.u32 s30, $0x3;
	s24 =	simm.s32 $0x400  }
0xd: {  	s25 =	simm.s32 $0x0;
	s23 =	sshrl.u32 s4, $0x3;
	s7 =	sshrl.u32 s22, $0x3  }
0xe: {  	s4 =	sadd.s32 $0x16200, s5;
	s12 =	smul.u32 $0x14000, s31;
	s15 =	smax.u32 s15, $0x1  }
0xf: {  	s17 =	sadd.s32 s23, s5;
	s13 =	sadd.s32 s7, s5;
	s5 =	sadd.s32 s28, s2  }
0x10: {  	s22 =	simm.s32 $0x1;
	s23 =	simm.s32 $0x2900;
	s6 =	sadd.s32 $0x2800, s5  }
0x11: {  	s7 =	sadd.s32 $0x5000, s5;
	s8 =	sadd.s32 $0x7800, s5;
	s9 =	sadd.s32 $0xA000, s5  }
0x12: {  	s10 =	sadd.s32 $0xC800, s5;
	s11 =	sadd.s32 $0xF000, s5;
	s16 =	sor.u32 s16, s12  }
0x13: {  	s12 =	sadd.s32 $0x11800, s5;
	s13 =	sadd.s32 $0x3E200, s13;
	s16 =	sshrl.u32 s16, $0x3  }
0x14: {  	v0 =	vimm.f32 $0.0e+00;
	v1 =	vimm.f32 $1.000000000e+00;
	s14 =	sadd.s32 s14, s16;
	s16 =	sadd.s32 $0x2600, s17;
	s17 =	sadd.s32 $0xC400, s17  }
.LBB2_1:
0x15: {  	s26 =	simm.s32 $0x0;
	s28 =	simm.s32 $0x200  }
.LBB2_2:
0x16: {  	p0 =	sne.s32 s28, $0x9E00;
	[tilespmem:s26+$0x170] =	vst v0  }
0x17: {  	[tilespmem:s26+$0x100] =	vst v0  }
0x18: {  	[tilespmem:s26+$0x110] =	vst v0  }
.Ltmp0:
0x19: {  	[tilespmem:s26+$0x120] =	vst v0;
	(pc) =	sbr.rel @p0 .LBB2_2-.Ltmp0, $4  }
0x1a: {  	[tilespmem:s26+$0x130] =	vst v0  }
0x1b: {  	[tilespmem:s26+$0x140] =	vst v0  }
0x1c: {  	[tilespmem:s26+$0x150] =	vst v0  }
0x1d: {  	[tilespmem:s26+$0x160] =	vst v0;
	s26 =	sshra.s32 s28, $0x2;
	s28 =	sadd.s32 $0x200, s28  }
0x1e: {  	[tilespmem:s26+$0x170] =	vst v0  }
0x1f: {  	[tilespmem:s26+$0x100] =	vst v0  }
0x20: {  	[tilespmem:s26+$0x110] =	vst v0  }
0x21: {  	[tilespmem:s26+$0x120] =	vst v0  }
0x22: {  	[tilespmem:s26+$0x130] =	vst v0  }
0x23: {  	[tilespmem:s26+$0x140] =	vst v0  }
0x24: {  	[tilespmem:s26+$0x150] =	vst v0  }
0x25: {  	[tilespmem:s26+$0x160] =	vst v0  }
0x26: {  	[spmem:s5] =	stream.linear.scatter [tilespmem:s18], [sflag:$0x2], $0x2800, $0x38;
	[tilespmem:$0x19100] =	vst v63  }
0x27: {  	_ =	swait.ge [sflag:s19], $0x2800  }
0x28: {  	[sflag:s19] =	ssyncset.done $0x0  }
0x29: {  	[sflag:s19] =	ssyncadd.s32 $0xFFFFD800  }
0x2a: {  	[spmem:s6] =	stream.linear.scatter [tilespmem:s18], [sflag:$0x2], $0x2800, $0x38;
	[tilespmem:$0x19100] =	vst v63  }
0x2b: {  	_ =	swait.ge [sflag:s19], $0x2800  }
0x2c: {  	[sflag:s19] =	ssyncset.done $0x0  }
0x2d: {  	[sflag:s19] =	ssyncadd.s32 $0xFFFFD800  }
0x2e: {  	[spmem:s7] =	stream.linear.scatter [tilespmem:s18], [sflag:$0x2], $0x2800, $0x38;
	[tilespmem:$0x19100] =	vst v63  }
0x2f: {  	_ =	swait.ge [sflag:s19], $0x2800  }
0x30: {  	[sflag:s19] =	ssyncset.done $0x0  }
0x31: {  	[sflag:s19] =	ssyncadd.s32 $0xFFFFD800  }
0x32: {  	[spmem:s8] =	stream.linear.scatter [tilespmem:s18], [sflag:$0x2], $0x2800, $0x38;
	[tilespmem:$0x19100] =	vst v63  }
0x33: {  	_ =	swait.ge [sflag:s19], $0x2800  }
0x34: {  	[sflag:s19] =	ssyncset.done $0x0  }
0x35: {  	[sflag:s19] =	ssyncadd.s32 $0xFFFFD800  }
0x36: {  	[spmem:s9] =	stream.linear.scatter [tilespmem:s18], [sflag:$0x2], $0x2800, $0x38;
	[tilespmem:$0x19100] =	vst v63  }
0x37: {  	_ =	swait.ge [sflag:s19], $0x2800  }
0x38: {  	[sflag:s19] =	ssyncset.done $0x0  }
0x39: {  	[sflag:s19] =	ssyncadd.s32 $0xFFFFD800  }
0x3a: {  	[spmem:s10] =	stream.linear.scatter [tilespmem:s18], [sflag:$0x2], $0x2800, $0x38;
	[tilespmem:$0x19100] =	vst v63  }
0x3b: {  	_ =	swait.ge [sflag:s19], $0x2800  }
0x3c: {  	[sflag:s19] =	ssyncset.done $0x0  }
0x3d: {  	[sflag:s19] =	ssyncadd.s32 $0xFFFFD800  }
0x3e: {  	[spmem:s11] =	stream.linear.scatter [tilespmem:s18], [sflag:$0x2], $0x2800, $0x38;
	[tilespmem:$0x19100] =	vst v63  }
0x3f: {  	_ =	swait.ge [sflag:s19], $0x2800  }
0x40: {  	[sflag:s19] =	ssyncset.done $0x0  }
0x41: {  	[sflag:s19] =	ssyncadd.s32 $0xFFFFD800  }
0x42: {  	[spmem:s12] =	stream.linear.scatter [tilespmem:s18], [sflag:$0x2], $0x2800, $0x38;
	[tilespmem:$0x19100] =	vst v63  }
0x43: {  	_ =	swait.ge [sflag:s19], $0x2800  }
0x44: {  	[sflag:s19] =	ssyncset.done $0x0  }
0x45: {  	s26 =	simm.s32 $0x40;
	s28 =	simm.s32 $0x0;
	[sflag:s19] =	ssyncadd.s32 $0xFFFFD800  }
.LBB2_4:
0x46: {  	p0 =	sne.s32 s26, $0x9FC0;
	[tilespmem:s28+$0x2900] =	vst v0;
	s28 =	smov.u32 s26;
	s26 =	sadd.s32 $0x40, s26  }
.Ltmp1:
0x47: {  	(pc) =	sbr.rel @p0 .LBB2_4-.Ltmp1, $2  }
0x48: {  	_ =	sdelay $0x2  }
0x49: {  	s28 =	sshra.s32 s28, $0x2  }
0x4a: {  	[tilespmem:s28+$0x2900] =	vst v0  }
0x4b: {  	s26 =	simm.s32 $0x0;
	[bflag:$0x0] =	sbarrier.arrive $0xFFFF  }
.LBB2_6:
0x4c: {  	s28 =	sadd.s32 s26, s17  }
0x4d: {  	[tilespmem:s3], [sflag:$0x2] =	stream.linear.gather [hbm4b:s28+s3], $0x50, $0x38;
	[tilespmem:$0x19100] =	vst v63  }
0x4e: {  	_ =	swait.ge [sflag:s19], $0x50  }
0x4f: {  	[sflag:s19] =	ssyncset.done $0x0  }
0x50: {  	s31 =	sadd.s32 s26, s16;
	[sflag:s19] =	ssyncadd.s32 $0xFFFFFFB0  }
0x51: {  	[tilespmem:s20], [sflag:$0x2] =	stream.linear.gather [hbm4b:s31+s3], $0x50, $0x38;
	[tilespmem:$0x19100] =	vst v63  }
0x52: {  	_ =	swait.ge [sflag:s19], $0x50  }
0x53: {  	[sflag:s19] =	ssyncset.done $0x0  }
0x54: {  	[sflag:s19] =	ssyncadd.s32 $0xFFFFFFB0  }
0x55: {  	[tilespmem:s18], [sflag:$0x1] =	stream.indirect.gather [hbm4b:s4+s21], $0x80, s3, s21, $0xb8;
	[tilespmem:$0x19100] =	vst v63  }
0x56: {  	_ =	swait.ge [sflag:s22], $0x2800  }
0x57: {  	[sflag:s22] =	ssyncset.done $0x0  }
0x58: {  	[sflag:s22] =	ssyncadd.s32 $0xFFFFD800  }
0x59: {  	[spmem:s2] =	stream.indirect.scatter.add.f32 [tilespmem:s18], [sflag:$0x2], $0x80, s20, s21, $0xb8;
	[tilespmem:$0x19100] =	vst v63  }
0x5a: {  	_ =	swait.ge [sflag:s19], $0x2800  }
0x5b: {  	[sflag:s19] =	ssyncset.done $0x0  }
0x5c: {  	[sflag:s19] =	ssyncadd.s32 $0xFFFFD800  }
0x5d: {  	v2 =	vld [tilespmem:$0x80];
	_ =	sdelay $0x7  }
0x5e: {  	[tilespmem:v2+s23+$0x0] =	vst.idx.add.f32.msk $0xffff, v1  }
0x5f: {  	v2 =	vld [tilespmem:$0x90];
	_ =	sdelay $0x7  }
0x60: {  	[tilespmem:v2+s23+$0x0] =	vst.idx.add.f32.msk $0xffff, v1  }
0x61: {  	v2 =	vld [tilespmem:$0xA0];
	_ =	sdelay $0x7  }
0x62: {  	[tilespmem:v2+s23+$0x0] =	vst.idx.add.f32.msk $0xffff, v1  }
0x63: {  	v2 =	vld [tilespmem:$0xB0];
	_ =	sdelay $0x7  }
0x64: {  	[tilespmem:v2+s23+$0x0] =	vst.idx.add.f32.msk $0xffff, v1  }
0x65: {  	v2 =	vld [tilespmem:$0xC0];
	_ =	sdelay $0x2  }
0x66: {  	p0 =	sne.s32 s26, $0x4D8  }
.Ltmp2:
0x67: {  	_ = 	snop;
	(pc) =	sbr.rel @p0 .LBB2_6-.Ltmp2, $2  }
0x68: {  	_ =	sdelay $0x2  }
0x69: {  	s26 =	sadd.s32 $0xA, s26;
	[tilespmem:v2+s23+$0x0] =	vst.idx.add.f32.msk $0xffff, v1  }
0x6a: {  	s26 =	sshll.u32 s0, $0x6  }
0x6b: {  	[bflag:$0x0] =	sbarrier.arrive $0xFFFF;
	s28 =	sshrl.u32 s5, $0x3;
	s26 =	sor.u32 $0x1C02, s26  }
0x6c: {  	[hbm:s13], [sflag:s26] =	dma.local [spmem:s28], $0x2800  }
0x6d: {  	s25 =	sadd.s32 $0x1, s25;
	_ =	swait.ge [sflag:s19], $0x2800  }
0x6e: {  	p0 =	sne.s32 s25, s15;
	[sflag:s19] =	ssyncset.done $0x0  }
.Ltmp3:
0x6f: {  	[sflag:s19] =	ssyncadd.s32 $0xFFFFD800;
	(pc) =	sbr.rel @p0 .LBB2_1-.Ltmp3, $4  }
0x70: {  	[hbm4b:s14+s20] =	stream.strided.scatter [tilespmem:s23], [sflag:$0x2], $0x2800, s24, s20, $0x38;
	[tilespmem:$0x19100] =	vst v63  }
0x71: {  	_ =	swait.ge [sflag:s19], $0x2800  }
0x72: {  	[sflag:s19] =	ssyncset.done $0x0  }
0x73: {  	[sflag:s19] =	ssyncadd.s32 $0xFFFFD800  }
0x74: {  	_ =	sfence.sel $0x180000  }
0x75: {  	[bflag:$0x0] =	sbarrier.arrive $0xFFFF  }
0x76: {  	p0 =	sne.s32 s0, $0x0;
	_ =	strace $0x90000047  }
0x77: {  	s0 =	sadd.s32 @!p0 $0x100000, s1;
	[bflag:$0x2] =	sbarrier.arrive $0xFFFF  }
0x78: {  	[sflag:s0] =	ssyncadd.tile.s32 @!p0 $0x1;
	_ =	shalt  }
.Lfunc_end2:
_tile_overlayer_lowered:
.L_overlay_start_2:
0x79: {  	(tag) =	ssettag $0x2  }
0x7a: {  	s0 =	rddreg [dreg:$0x0];
	s2 =	stileid.u32  }
0x7b: {  	s1 =	rddreg [dreg:$0x1];
	p0 =	sne.s32 s2, $0x0  }
0x7c: {  	s3 =	rddreg [dreg:$0x2];
	[bflag:$0x3] =	sbarrier.arrive $0xFFFF;
	s2 =	simm.s32 @!p0 $0x1C02  }
0x7d: {  	[timem:s3], [sflag:s2] =	dma.local @!p0 [hbm:s0], s1  }
0x7e: {  	s0 =	simm.s32 @!p0 $0x2  }
0x7f: {  	_ =	swait.ge @!p0 [sflag:s0], s1  }
0x80: {  	s1 =	ssub.s32 @!p0 $0x0, s1;
	[sflag:s0] =	ssyncset.done @!p0 $0x0  }
0x81: {  	[sflag:s0] =	ssyncadd.s32 @!p0 s1  }
0x82: {  	[bflag:$0x3] =	sbarrier.arrive $0xFFFF  }
0x83: {  	_ =	shalt  }

</sc_bundles>
